<compile_context>
chip_gen: v7x
topology: tpu7x:2x2x1
jax: 0.10.2.dev20260603
libtpu: 0.0.44.dev20260713+nightly
codegen_flags: <defaults>
</compile_context>

<pallas_src>
import functools

import jax
import jax.numpy as jnp
from jax import lax
from jax.experimental import pallas as pl
from jax.experimental.pallas import tpu as pltpu
from jax.experimental.pallas import tpu_sc as plsc

B = 1024
L = 200
D = 64
KW = 3
NLAYERS = 4
ROWS = B * L
HR = ROWS // 2

NC = 2
NS = 16
NW = NC * NS
CHH = 128
PER_W = HR // NW
CPW = PER_W // CHH


def _sc_gather_halves(table, idx_ab):
    mesh = plsc.VectorSubcoreMesh(core_axis_name="c", subcore_axis_name="s")

    @functools.partial(
        pl.kernel,
        out_type=jax.ShapeDtypeStruct((HR, 2 * D), jnp.float32),
        mesh=mesh,
        scratch_types=[
            pltpu.VMEM((CPW, CHH), jnp.int32),
            pltpu.VMEM((CPW, CHH), jnp.int32),
            pltpu.VMEM((CHH, D), jnp.float32),
            pltpu.VMEM((CHH, D), jnp.float32),
            pltpu.VMEM((CHH, D), jnp.float32),
            pltpu.VMEM((CHH, D), jnp.float32),
            pltpu.SemaphoreType.DMA,
            pltpu.SemaphoreType.DMA,
            pltpu.SemaphoreType.DMA,
            pltpu.SemaphoreType.DMA,
        ],
        compiler_params=pltpu.CompilerParams(use_tc_tiling_on_sc=False),
    )
    def sc_gather(tab_hbm, iab_hbm, out_hbm, iav, ibv, ba0, bb0, ba1, bb1,
                  gsem0, gsem1, psem0, psem1):
        wid = lax.axis_index("s") * NC + lax.axis_index("c")
        base_row = wid * PER_W
        pltpu.sync_copy(iab_hbm.at[0, wid], iav)
        pltpu.sync_copy(iab_hbm.at[1, wid], ibv)

        def gstart(i, ba, bb, gsem):
            pltpu.make_async_copy(tab_hbm.at[iav.at[i]], ba, gsem).start()
            pltpu.make_async_copy(tab_hbm.at[ibv.at[i]], bb, gsem).start()

        def gwait(ba, bb, gsem):
            pltpu.make_async_copy(tab_hbm.at[iav.at[0]], ba, gsem).wait()
            pltpu.make_async_copy(tab_hbm.at[ibv.at[0]], bb, gsem).wait()

        def pstart(i, ba, bb, psem):
            row0 = base_row + i * CHH
            pltpu.make_async_copy(
                ba, out_hbm.at[pl.ds(row0, CHH), pl.ds(0, D)], psem
            ).start()
            pltpu.make_async_copy(
                bb, out_hbm.at[pl.ds(row0, CHH), pl.ds(D, D)], psem
            ).start()

        def pwait(ba, bb, psem):
            pltpu.make_async_copy(
                ba, out_hbm.at[pl.ds(base_row, CHH), pl.ds(0, D)], psem
            ).wait()
            pltpu.make_async_copy(
                bb, out_hbm.at[pl.ds(base_row, CHH), pl.ds(D, D)], psem
            ).wait()

        gstart(0, ba0, bb0, gsem0)
        gstart(1, ba1, bb1, gsem1)

        def body(j, carry):
            i0 = 2 * j
            gwait(ba0, bb0, gsem0)
            pstart(i0, ba0, bb0, psem0)
            gwait(ba1, bb1, gsem1)
            pstart(i0 + 1, ba1, bb1, psem1)

            @pl.when(j + 1 < CPW // 2)
            def _():
                pwait(ba0, bb0, psem0)
                gstart(i0 + 2, ba0, bb0, gsem0)
                pwait(ba1, bb1, psem1)
                gstart(i0 + 3, ba1, bb1, gsem1)

            return carry

        lax.fori_loop(0, CPW // 2, body, 0)
        pwait(ba0, bb0, psem0)
        pwait(ba1, bb1, psem1)
        gstart(CPW - 1, ba0, bb0, gsem0)
        gwait(ba0, bb0, gsem0)
        pstart(CPW - 1, ba0, bb0, psem0)
        pwait(ba0, bb0, psem0)

    return sc_gather(table, idx_ab)


def _tap_weights(w):
    z = jnp.zeros((D, D), w.dtype)
    blocks = []
    for k in range(KW):
        top = jnp.concatenate([w[k], z], axis=1)
        bot = jnp.concatenate([z, w[k]], axis=1)
        blocks.append(jnp.concatenate([top, bot], axis=0))
    return jnp.concatenate(blocks, axis=0)


def _conv_body_half(w_ref, x_ref, o_ref, *, nb):
    m = nb * L // 2
    x = x_ref[...]
    l = lax.broadcasted_iota(jnp.int32, (m, 1), 0) % L
    not_first = l != 0
    not_last = l != (L - 1)
    zrow = jnp.zeros((1, 2 * D), jnp.bfloat16)
    zero = jnp.zeros((), jnp.bfloat16)
    zrowf = jnp.zeros((1, 2 * D), jnp.float32)
    zerof = jnp.zeros((), jnp.float32)
    for i in range(NLAYERS):
        xmf = jnp.where(not_first, jnp.concatenate([zrowf, x[: m - 1]], axis=0), zerof)
        xpf = jnp.where(not_last, jnp.concatenate([x[1:], zrowf], axis=0), zerof)
        xc = jnp.concatenate([xmf, x, xpf], axis=1).astype(jnp.bfloat16)
        y = lax.dot_general(
            xc, w_ref[i], (((1,), (0,)), ((), ())),
            preferred_element_type=jnp.float32,
        )
        x = jnp.maximum(y, 0.0)
    ha = x[:, :D].reshape(1, nb // 2, L, D)
    hb = x[:, D:].reshape(1, nb // 2, L, D)
    o_ref[...] = jnp.concatenate([ha, hb], axis=0)


def _conv_stack_half(x2, wt, nb=64, interpret=False):
    grid = (B // nb,)
    return pl.pallas_call(
        functools.partial(_conv_body_half, nb=nb),
        grid=grid,
        in_specs=[
            pl.BlockSpec((NLAYERS, 6 * D, 2 * D), lambda i: (0, 0, 0)),
            pl.BlockSpec((nb * L // 2, 2 * D), lambda i: (i, 0)),
        ],
        out_specs=pl.BlockSpec((2, nb // 2, L, D), lambda i: (0, i, 0, 0)),
        out_shape=jax.ShapeDtypeStruct((2, B // 2, L, D), jnp.float32),
        interpret=interpret,
    )(wt, x2)


def kernel(indices, table, w0, w1, w2, w3):
    idx_ab = indices.astype(jnp.int32).reshape(2, NW, CPW, CHH)
    x2 = _sc_gather_halves(table, idx_ab)
    wt = jnp.stack(
        [_tap_weights(w.reshape(KW, D, D)) for w in (w0, w1, w2, w3)]
    ).astype(jnp.bfloat16)
    out4 = _conv_stack_half(x2, wt)
    return out4.reshape(B, L, D)

# --- scband reference (transcript-rebuilt; emitter-appended) ---
"""Pipeline reference for scband-conv-encoder-41961830482154 (READ-ONLY COPY).

The authoritative reference and input builder live on the scoring server;
editing this copy changes nothing except your own understanding.
"""

import jax, jax.numpy as jnp
import numpy as np

VOCAB = 100000
D = 64
K = 3
A_NUM = 2
C_NUM = 2
B = 1024
L = 200


def setup_inputs(seed: int = 0) -> dict:
    key = jax.random.key(seed)
    ks = jax.random.split(key, 2 + A_NUM + C_NUM)
    indices = jax.random.randint(ks[0], (B, L), 0, VOCAB, dtype=jnp.int32).astype(jnp.int64)
    table = jax.random.normal(ks[1], (VOCAB, D), dtype=jnp.float32) * 0.02
    inp = {"indices": indices, "table": table}
    for i in range(A_NUM + C_NUM):
        inp[f"w{i}"] = jax.random.normal(ks[2 + i], (K, D, D), dtype=jnp.float32) * np.float32(1.0 / np.sqrt(K * D))
    return inp


def reference(indices, table, w0, w1, w2, w3):
    # Embedding lookup (layers.Embedding)
    x = jnp.take(table, indices, axis=0)  # [B, L, D]
    # a_num 'conva' layers followed by c_num 'convc' layers, 1D conv, SAME padding, ReLU
    for w in (w0, w1, w2, w3):
        x = jax.lax.conv_general_dilated(
            x, w,
            window_strides=(1,),
            padding='SAME',
            dimension_numbers=('NWC', 'WIO', 'NWC'))
        x = jax.nn.relu(x)
    return x

if __name__ == "__main__":
    import jax
    _d = setup_inputs()
    print(jax.jit(kernel)(*tuple(_d.values())))

</pallas_src>

<mosaic_0001>
#map = affine_map<(d0, d1) -> (0, 0)>
#map1 = affine_map<(d0, d1) -> (0, 0, 0, 0)>
module attributes {stable_mosaic.version = 14 : i64} {
  func.func @sc_gather(%arg0: i32, %arg1: i32, %arg2: memref<100000x64xf32, #tpu.memory_space<hbm>>, %arg3: memref<2x32x25x128xi32, #tpu.memory_space<hbm>>, %arg4: memref<102400x128xf32, #tpu.memory_space<hbm>>, %arg5: memref<25x128xi32, #tpu.memory_space<vmem>>, %arg6: memref<25x128xi32, #tpu.memory_space<vmem>>, %arg7: memref<128x64xf32, #tpu.memory_space<vmem>>, %arg8: memref<128x64xf32, #tpu.memory_space<vmem>>, %arg9: memref<128x64xf32, #tpu.memory_space<vmem>>, %arg10: memref<128x64xf32, #tpu.memory_space<vmem>>, %arg11: memref<!tpu.dma_semaphore, #tpu.memory_space<semaphore_mem>>, %arg12: memref<!tpu.dma_semaphore, #tpu.memory_space<semaphore_mem>>, %arg13: memref<!tpu.dma_semaphore, #tpu.memory_space<semaphore_mem>>, %arg14: memref<!tpu.dma_semaphore, #tpu.memory_space<semaphore_mem>>) attributes {dimension_semantics = [#tpu.dimension_semantics<core_parallel>, #tpu.dimension_semantics<subcore_parallel>], iteration_bounds = array<i64: 2, 16>, scalar_prefetch = 0 : i64, scratch_operands = 10 : i64, tpu.core_type = #tpu.core_type<sc_vector_subcore>, window_params = [{transform_indices = #map}, {transform_indices = #map1}, {transform_indices = #map}]} {
    %mul3A = arith.constant 2 : i32
    %mul3A_0 = arith.muli %arg1, %mul3A : i32
    %add3A = arith.addi %mul3A_0, %arg0 : i32
    %mul3A_1 = arith.constant 3200 : i32
    %mul3A_2 = arith.muli %add3A, %mul3A_1 : i32
    %run_scoped3A = arith.constant 0 : i32
    "tpu.region"() ({
      %run_scoped3A_97 = tpu.sem_alloc : memref<!tpu.dma_semaphore, #tpu.memory_space<semaphore_mem>>
      %dma_start3A_98 = arith.constant 0 : i32
      %dma_start3A_99 = arith.constant 0 : i32
      %dma_start3A_100 = tpu.memref_slice %arg3[%run_scoped3A, %add3A, %dma_start3A_98, %dma_start3A_99] : memref<2x32x25x128xi32, #tpu.memory_space<hbm>> -> memref<1x1x25x128xi32, #tpu.memory_space<hbm>>
      %dma_start3A_101 = tpu.memref_squeeze %dma_start3A_100 : memref<1x1x25x128xi32, #tpu.memory_space<hbm>> -> memref<25x128xi32, #tpu.memory_space<hbm>>
      %dma_start3A_102 = arith.constant 0 : i32
      %dma_start3A_103 = arith.constant 0 : i32
      %dma_start3A_104 = tpu.memref_slice %arg3[%run_scoped3A, %add3A, %dma_start3A_102, %dma_start3A_103] : memref<2x32x25x128xi32, #tpu.memory_space<hbm>> -> memref<1x1x25x128xi32, #tpu.memory_space<hbm>>
      %dma_start3A_105 = tpu.memref_squeeze %dma_start3A_104 : memref<1x1x25x128xi32, #tpu.memory_space<hbm>> -> memref<25x128xi32, #tpu.memory_space<hbm>>
      tpu.enqueue_dma source(%dma_start3A_105 : memref<25x128xi32, #tpu.memory_space<hbm>>) target(%arg5 : memref<25x128xi32, #tpu.memory_space<vmem>>) target_semaphore(%run_scoped3A_97 : memref<!tpu.dma_semaphore, #tpu.memory_space<semaphore_mem>>)
      %dma_wait3A_106 = arith.constant 0 : i32
      %dma_wait3A_107 = arith.constant 0 : i32
      %dma_wait3A_108 = tpu.memref_slice %arg3[%run_scoped3A, %add3A, %dma_wait3A_106, %dma_wait3A_107] : memref<2x32x25x128xi32, #tpu.memory_space<hbm>> -> memref<1x1x25x128xi32, #tpu.memory_space<hbm>>
      %dma_wait3A_109 = tpu.memref_squeeze %dma_wait3A_108 : memref<1x1x25x128xi32, #tpu.memory_space<hbm>> -> memref<25x128xi32, #tpu.memory_space<hbm>>
      %dma_wait3A_110 = arith.constant 0 : i32
      %dma_wait3A_111 = arith.constant 0 : i32
      %dma_wait3A_112 = tpu.memref_slice %arg3[%run_scoped3A, %add3A, %dma_wait3A_110, %dma_wait3A_111] : memref<2x32x25x128xi32, #tpu.memory_space<hbm>> -> memref<1x1x25x128xi32, #tpu.memory_space<hbm>>
      %dma_wait3A_113 = tpu.memref_squeeze %dma_wait3A_112 : memref<1x1x25x128xi32, #tpu.memory_space<hbm>> -> memref<25x128xi32, #tpu.memory_space<hbm>>
      tpu.wait_dma2 semaphore(%run_scoped3A_97 : memref<!tpu.dma_semaphore, #tpu.memory_space<semaphore_mem>>) src(%dma_wait3A_113 : memref<25x128xi32, #tpu.memory_space<hbm>>) dst(%arg5 : memref<25x128xi32, #tpu.memory_space<vmem>>)
      tpu.yield
    }) : () -> ()
    %run_scoped3A_3 = arith.constant 1 : i32
    "tpu.region"() ({
      %run_scoped3A_97 = tpu.sem_alloc : memref<!tpu.dma_semaphore, #tpu.memory_space<semaphore_mem>>
      %dma_start3A_98 = arith.constant 0 : i32
      %dma_start3A_99 = arith.constant 0 : i32
      %dma_start3A_100 = tpu.memref_slice %arg3[%run_scoped3A_3, %add3A, %dma_start3A_98, %dma_start3A_99] : memref<2x32x25x128xi32, #tpu.memory_space<hbm>> -> memref<1x1x25x128xi32, #tpu.memory_space<hbm>>
      %dma_start3A_101 = tpu.memref_squeeze %dma_start3A_100 : memref<1x1x25x128xi32, #tpu.memory_space<hbm>> -> memref<25x128xi32, #tpu.memory_space<hbm>>
      %dma_start3A_102 = arith.constant 0 : i32
      %dma_start3A_103 = arith.constant 0 : i32
      %dma_start3A_104 = tpu.memref_slice %arg3[%run_scoped3A_3, %add3A, %dma_start3A_102, %dma_start3A_103] : memref<2x32x25x128xi32, #tpu.memory_space<hbm>> -> memref<1x1x25x128xi32, #tpu.memory_space<hbm>>
      %dma_start3A_105 = tpu.memref_squeeze %dma_start3A_104 : memref<1x1x25x128xi32, #tpu.memory_space<hbm>> -> memref<25x128xi32, #tpu.memory_space<hbm>>
      tpu.enqueue_dma source(%dma_start3A_105 : memref<25x128xi32, #tpu.memory_space<hbm>>) target(%arg6 : memref<25x128xi32, #tpu.memory_space<vmem>>) target_semaphore(%run_scoped3A_97 : memref<!tpu.dma_semaphore, #tpu.memory_space<semaphore_mem>>)
      %dma_wait3A_106 = arith.constant 0 : i32
      %dma_wait3A_107 = arith.constant 0 : i32
      %dma_wait3A_108 = tpu.memref_slice %arg3[%run_scoped3A_3, %add3A, %dma_wait3A_106, %dma_wait3A_107] : memref<2x32x25x128xi32, #tpu.memory_space<hbm>> -> memref<1x1x25x128xi32, #tpu.memory_space<hbm>>
      %dma_wait3A_109 = tpu.memref_squeeze %dma_wait3A_108 : memref<1x1x25x128xi32, #tpu.memory_space<hbm>> -> memref<25x128xi32, #tpu.memory_space<hbm>>
      %dma_wait3A_110 = arith.constant 0 : i32
      %dma_wait3A_111 = arith.constant 0 : i32
      %dma_wait3A_112 = tpu.memref_slice %arg3[%run_scoped3A_3, %add3A, %dma_wait3A_110, %dma_wait3A_111] : memref<2x32x25x128xi32, #tpu.memory_space<hbm>> -> memref<1x1x25x128xi32, #tpu.memory_space<hbm>>
      %dma_wait3A_113 = tpu.memref_squeeze %dma_wait3A_112 : memref<1x1x25x128xi32, #tpu.memory_space<hbm>> -> memref<25x128xi32, #tpu.memory_space<hbm>>
      tpu.wait_dma2 semaphore(%run_scoped3A_97 : memref<!tpu.dma_semaphore, #tpu.memory_space<semaphore_mem>>) src(%dma_wait3A_113 : memref<25x128xi32, #tpu.memory_space<hbm>>) dst(%arg6 : memref<25x128xi32, #tpu.memory_space<vmem>>)
      tpu.yield
    }) : () -> ()
    %dma_start3A = arith.constant 0 : i32
    %dma_start3A_4 = arith.constant 0 : i32
    %dma_start3A_5 = tpu.memref_slice %arg5[%dma_start3A, %dma_start3A_4] : memref<25x128xi32, #tpu.memory_space<vmem>> -> memref<1x128xi32, #tpu.memory_space<vmem>>
    %dma_start3A_6 = tpu.memref_squeeze %dma_start3A_5 : memref<1x128xi32, #tpu.memory_space<vmem>> -> memref<128xi32, #tpu.memory_space<vmem>>
    %dma_start3A_7 = arith.constant 0 : i32
    %dma_start3A_8 = arith.constant 0 : i32
    %dma_start3A_9 = tpu.memref_slice %arg2[%dma_start3A_7, %dma_start3A_8] : memref<100000x64xf32, #tpu.memory_space<hbm>> -> memref<100000x64xf32, #tpu.memory_space<hbm>>
    tpu.enqueue_indirect_dma source(%dma_start3A_9 : memref<100000x64xf32, #tpu.memory_space<hbm>>) target(%arg7 : memref<128x64xf32, #tpu.memory_space<vmem>>) offsets(%dma_start3A_6 : memref<128xi32, #tpu.memory_space<vmem>>) semaphore(%arg11 : memref<!tpu.dma_semaphore, #tpu.memory_space<semaphore_mem>>)
    %dma_start3A_10 = arith.constant 0 : i32
    %dma_start3A_11 = arith.constant 0 : i32
    %dma_start3A_12 = tpu.memref_slice %arg6[%dma_start3A_10, %dma_start3A_11] : memref<25x128xi32, #tpu.memory_space<vmem>> -> memref<1x128xi32, #tpu.memory_space<vmem>>
    %dma_start3A_13 = tpu.memref_squeeze %dma_start3A_12 : memref<1x128xi32, #tpu.memory_space<vmem>> -> memref<128xi32, #tpu.memory_space<vmem>>
    %dma_start3A_14 = arith.constant 0 : i32
    %dma_start3A_15 = arith.constant 0 : i32
    %dma_start3A_16 = tpu.memref_slice %arg2[%dma_start3A_14, %dma_start3A_15] : memref<100000x64xf32, #tpu.memory_space<hbm>> -> memref<100000x64xf32, #tpu.memory_space<hbm>>
    tpu.enqueue_indirect_dma source(%dma_start3A_16 : memref<100000x64xf32, #tpu.memory_space<hbm>>) target(%arg8 : memref<128x64xf32, #tpu.memory_space<vmem>>) offsets(%dma_start3A_13 : memref<128xi32, #tpu.memory_space<vmem>>) semaphore(%arg11 : memref<!tpu.dma_semaphore, #tpu.memory_space<semaphore_mem>>)
    %dma_start3A_17 = arith.constant 1 : i32
    %dma_start3A_18 = arith.constant 0 : i32
    %dma_start3A_19 = tpu.memref_slice %arg5[%dma_start3A_17, %dma_start3A_18] : memref<25x128xi32, #tpu.memory_space<vmem>> -> memref<1x128xi32, #tpu.memory_space<vmem>>
    %dma_start3A_20 = tpu.memref_squeeze %dma_start3A_19 : memref<1x128xi32, #tpu.memory_space<vmem>> -> memref<128xi32, #tpu.memory_space<vmem>>
    %dma_start3A_21 = arith.constant 0 : i32
    %dma_start3A_22 = arith.constant 0 : i32
    %dma_start3A_23 = tpu.memref_slice %arg2[%dma_start3A_21, %dma_start3A_22] : memref<100000x64xf32, #tpu.memory_space<hbm>> -> memref<100000x64xf32, #tpu.memory_space<hbm>>
    tpu.enqueue_indirect_dma source(%dma_start3A_23 : memref<100000x64xf32, #tpu.memory_space<hbm>>) target(%arg9 : memref<128x64xf32, #tpu.memory_space<vmem>>) offsets(%dma_start3A_20 : memref<128xi32, #tpu.memory_space<vmem>>) semaphore(%arg12 : memref<!tpu.dma_semaphore, #tpu.memory_space<semaphore_mem>>)
    %dma_start3A_24 = arith.constant 1 : i32
    %dma_start3A_25 = arith.constant 0 : i32
    %dma_start3A_26 = tpu.memref_slice %arg6[%dma_start3A_24, %dma_start3A_25] : memref<25x128xi32, #tpu.memory_space<vmem>> -> memref<1x128xi32, #tpu.memory_space<vmem>>
    %dma_start3A_27 = tpu.memref_squeeze %dma_start3A_26 : memref<1x128xi32, #tpu.memory_space<vmem>> -> memref<128xi32, #tpu.memory_space<vmem>>
    %dma_start3A_28 = arith.constant 0 : i32
    %dma_start3A_29 = arith.constant 0 : i32
    %dma_start3A_30 = tpu.memref_slice %arg2[%dma_start3A_28, %dma_start3A_29] : memref<100000x64xf32, #tpu.memory_space<hbm>> -> memref<100000x64xf32, #tpu.memory_space<hbm>>
    tpu.enqueue_indirect_dma source(%dma_start3A_30 : memref<100000x64xf32, #tpu.memory_space<hbm>>) target(%arg10 : memref<128x64xf32, #tpu.memory_space<vmem>>) offsets(%dma_start3A_27 : memref<128xi32, #tpu.memory_space<vmem>>) semaphore(%arg12 : memref<!tpu.dma_semaphore, #tpu.memory_space<semaphore_mem>>)
    %scan3A = arith.constant 0 : i32
    %scan3A_31 = arith.constant 0 : i32
    %scan3A_32 = arith.constant 12 : i32
    %scan3A_33 = arith.addi %scan3A_31, %scan3A_32 : i32
    %scan3A_34 = arith.constant 1 : i32
    scf.for %scan3A_97 = %scan3A_31 to %scan3A_33 step %scan3A_34  : i32 {
      %mul3A_98 = arith.constant 2 : i32
      %mul3A_99 = arith.muli %mul3A_98, %scan3A_97 : i32
      %dma_wait3A_100 = arith.constant 0 : i32
      %dma_wait3A_101 = arith.constant 0 : i32
      %dma_wait3A_102 = tpu.memref_slice %arg5[%dma_wait3A_100, %dma_wait3A_101] : memref<25x128xi32, #tpu.memory_space<vmem>> -> memref<1x128xi32, #tpu.memory_space<vmem>>
      %dma_wait3A_103 = tpu.memref_squeeze %dma_wait3A_102 : memref<1x128xi32, #tpu.memory_space<vmem>> -> memref<128xi32, #tpu.memory_space<vmem>>
      %dma_wait3A_104 = arith.constant 0 : i32
      %dma_wait3A_105 = arith.constant 0 : i32
      %dma_wait3A_106 = tpu.memref_slice %arg2[%dma_wait3A_104, %dma_wait3A_105] : memref<100000x64xf32, #tpu.memory_space<hbm>> -> memref<100000x64xf32, #tpu.memory_space<hbm>>
      tpu.wait_indirect_dma semaphore(%arg11 : memref<!tpu.dma_semaphore, #tpu.memory_space<semaphore_mem>>) src(%dma_wait3A_106 : memref<100000x64xf32, #tpu.memory_space<hbm>>) dst(%arg7 : memref<128x64xf32, #tpu.memory_space<vmem>>)
      %dma_wait3A_107 = arith.constant 0 : i32
      %dma_wait3A_108 = arith.constant 0 : i32
      %dma_wait3A_109 = tpu.memref_slice %arg6[%dma_wait3A_107, %dma_wait3A_108] : memref<25x128xi32, #tpu.memory_space<vmem>> -> memref<1x128xi32, #tpu.memory_space<vmem>>
      %dma_wait3A_110 = tpu.memref_squeeze %dma_wait3A_109 : memref<1x128xi32, #tpu.memory_space<vmem>> -> memref<128xi32, #tpu.memory_space<vmem>>
      %dma_wait3A_111 = arith.constant 0 : i32
      %dma_wait3A_112 = arith.constant 0 : i32
      %dma_wait3A_113 = tpu.memref_slice %arg2[%dma_wait3A_111, %dma_wait3A_112] : memref<100000x64xf32, #tpu.memory_space<hbm>> -> memref<100000x64xf32, #tpu.memory_space<hbm>>
      tpu.wait_indirect_dma semaphore(%arg11 : memref<!tpu.dma_semaphore, #tpu.memory_space<semaphore_mem>>) src(%dma_wait3A_113 : memref<100000x64xf32, #tpu.memory_space<hbm>>) dst(%arg8 : memref<128x64xf32, #tpu.memory_space<vmem>>)
      %mul3A_114 = arith.constant 128 : i32
      %mul3A_115 = arith.muli %mul3A_99, %mul3A_114 : i32
      %add3A_116 = arith.addi %mul3A_2, %mul3A_115 : i32
      %dma_start3A_117 = arith.constant 0 : i32
      %dma_start3A_118 = tpu.memref_slice %arg4[%add3A_116, %dma_start3A_117] : memref<102400x128xf32, #tpu.memory_space<hbm>> -> memref<128x64xf32, #tpu.memory_space<hbm>>
      %dma_start3A_119 = arith.constant 0 : i32
      %dma_start3A_120 = tpu.memref_slice %arg4[%add3A_116, %dma_start3A_119] : memref<102400x128xf32, #tpu.memory_space<hbm>> -> memref<128x64xf32, #tpu.memory_space<hbm>>
      tpu.enqueue_dma source(%arg7 : memref<128x64xf32, #tpu.memory_space<vmem>>) target(%dma_start3A_120 : memref<128x64xf32, #tpu.memory_space<hbm>>) target_semaphore(%arg13 : memref<!tpu.dma_semaphore, #tpu.memory_space<semaphore_mem>>)
      %dma_start3A_121 = arith.constant 64 : i32
      %dma_start3A_122 = tpu.memref_slice %arg4[%add3A_116, %dma_start3A_121] : memref<102400x128xf32, #tpu.memory_space<hbm>> -> memref<128x64xf32, #tpu.memory_space<hbm>>
      %dma_start3A_123 = arith.constant 64 : i32
      %dma_start3A_124 = tpu.memref_slice %arg4[%add3A_116, %dma_start3A_123] : memref<102400x128xf32, #tpu.memory_space<hbm>> -> memref<128x64xf32, #tpu.memory_space<hbm>>
      tpu.enqueue_dma source(%arg8 : memref<128x64xf32, #tpu.memory_space<vmem>>) target(%dma_start3A_124 : memref<128x64xf32, #tpu.memory_space<hbm>>) target_semaphore(%arg13 : memref<!tpu.dma_semaphore, #tpu.memory_space<semaphore_mem>>)
      %dma_wait3A_125 = arith.constant 0 : i32
      %dma_wait3A_126 = arith.constant 0 : i32
      %dma_wait3A_127 = tpu.memref_slice %arg5[%dma_wait3A_125, %dma_wait3A_126] : memref<25x128xi32, #tpu.memory_space<vmem>> -> memref<1x128xi32, #tpu.memory_space<vmem>>
      %dma_wait3A_128 = tpu.memref_squeeze %dma_wait3A_127 : memref<1x128xi32, #tpu.memory_space<vmem>> -> memref<128xi32, #tpu.memory_space<vmem>>
      %dma_wait3A_129 = arith.constant 0 : i32
      %dma_wait3A_130 = arith.constant 0 : i32
      %dma_wait3A_131 = tpu.memref_slice %arg2[%dma_wait3A_129, %dma_wait3A_130] : memref<100000x64xf32, #tpu.memory_space<hbm>> -> memref<100000x64xf32, #tpu.memory_space<hbm>>
      tpu.wait_indirect_dma semaphore(%arg12 : memref<!tpu.dma_semaphore, #tpu.memory_space<semaphore_mem>>) src(%dma_wait3A_131 : memref<100000x64xf32, #tpu.memory_space<hbm>>) dst(%arg9 : memref<128x64xf32, #tpu.memory_space<vmem>>)
      %dma_wait3A_132 = arith.constant 0 : i32
      %dma_wait3A_133 = arith.constant 0 : i32
      %dma_wait3A_134 = tpu.memref_slice %arg6[%dma_wait3A_132, %dma_wait3A_133] : memref<25x128xi32, #tpu.memory_space<vmem>> -> memref<1x128xi32, #tpu.memory_space<vmem>>
      %dma_wait3A_135 = tpu.memref_squeeze %dma_wait3A_134 : memref<1x128xi32, #tpu.memory_space<vmem>> -> memref<128xi32, #tpu.memory_space<vmem>>
      %dma_wait3A_136 = arith.constant 0 : i32
      %dma_wait3A_137 = arith.constant 0 : i32
      %dma_wait3A_138 = tpu.memref_slice %arg2[%dma_wait3A_136, %dma_wait3A_137] : memref<100000x64xf32, #tpu.memory_space<hbm>> -> memref<100000x64xf32, #tpu.memory_space<hbm>>
      tpu.wait_indirect_dma semaphore(%arg12 : memref<!tpu.dma_semaphore, #tpu.memory_space<semaphore_mem>>) src(%dma_wait3A_138 : memref<100000x64xf32, #tpu.memory_space<hbm>>) dst(%arg10 : memref<128x64xf32, #tpu.memory_space<vmem>>)
      %add3A_139 = arith.constant 1 : i32
      %add3A_140 = arith.addi %mul3A_99, %add3A_139 : i32
      %mul3A_141 = arith.constant 128 : i32
      %mul3A_142 = arith.muli %add3A_140, %mul3A_141 : i32
      %add3A_143 = arith.addi %mul3A_2, %mul3A_142 : i32
      %dma_start3A_144 = arith.constant 0 : i32
      %dma_start3A_145 = tpu.memref_slice %arg4[%add3A_143, %dma_start3A_144] : memref<102400x128xf32, #tpu.memory_space<hbm>> -> memref<128x64xf32, #tpu.memory_space<hbm>>
      %dma_start3A_146 = arith.constant 0 : i32
      %dma_start3A_147 = tpu.memref_slice %arg4[%add3A_143, %dma_start3A_146] : memref<102400x128xf32, #tpu.memory_space<hbm>> -> memref<128x64xf32, #tpu.memory_space<hbm>>
      tpu.enqueue_dma source(%arg9 : memref<128x64xf32, #tpu.memory_space<vmem>>) target(%dma_start3A_147 : memref<128x64xf32, #tpu.memory_space<hbm>>) target_semaphore(%arg14 : memref<!tpu.dma_semaphore, #tpu.memory_space<semaphore_mem>>)
      %dma_start3A_148 = arith.constant 64 : i32
      %dma_start3A_149 = tpu.memref_slice %arg4[%add3A_143, %dma_start3A_148] : memref<102400x128xf32, #tpu.memory_space<hbm>> -> memref<128x64xf32, #tpu.memory_space<hbm>>
      %dma_start3A_150 = arith.constant 64 : i32
      %dma_start3A_151 = tpu.memref_slice %arg4[%add3A_143, %dma_start3A_150] : memref<102400x128xf32, #tpu.memory_space<hbm>> -> memref<128x64xf32, #tpu.memory_space<hbm>>
      tpu.enqueue_dma source(%arg10 : memref<128x64xf32, #tpu.memory_space<vmem>>) target(%dma_start3A_151 : memref<128x64xf32, #tpu.memory_space<hbm>>) target_semaphore(%arg14 : memref<!tpu.dma_semaphore, #tpu.memory_space<semaphore_mem>>)
      %add3A_152 = arith.constant 1 : i32
      %add3A_153 = arith.addi %scan3A_97, %add3A_152 : i32
      %lt3A = arith.constant 12 : i32
      %lt3A_154 = arith.cmpi slt, %add3A_153, %lt3A : i32
      %convert_element_type3A = arith.extui %lt3A_154 : i1 to i32
      %cond3A = arith.constant 0 : i32
      %cond3A_155 = arith.cmpi ne, %convert_element_type3A, %cond3A : i32
      scf.if %cond3A_155 {
        %dma_wait3A_156 = arith.constant 0 : i32
        %dma_wait3A_157 = tpu.memref_slice %arg4[%mul3A_2, %dma_wait3A_156] : memref<102400x128xf32, #tpu.memory_space<hbm>> -> memref<128x64xf32, #tpu.memory_space<hbm>>
        %dma_wait3A_158 = arith.constant 0 : i32
        %dma_wait3A_159 = tpu.memref_slice %arg4[%mul3A_2, %dma_wait3A_158] : memref<102400x128xf32, #tpu.memory_space<hbm>> -> memref<128x64xf32, #tpu.memory_space<hbm>>
        tpu.wait_dma2 semaphore(%arg13 : memref<!tpu.dma_semaphore, #tpu.memory_space<semaphore_mem>>) src(%arg7 : memref<128x64xf32, #tpu.memory_space<vmem>>) dst(%dma_wait3A_159 : memref<128x64xf32, #tpu.memory_space<hbm>>)
        %dma_wait3A_160 = arith.constant 64 : i32
        %dma_wait3A_161 = tpu.memref_slice %arg4[%mul3A_2, %dma_wait3A_160] : memref<102400x128xf32, #tpu.memory_space<hbm>> -> memref<128x64xf32, #tpu.memory_space<hbm>>
        %dma_wait3A_162 = arith.constant 64 : i32
        %dma_wait3A_163 = tpu.memref_slice %arg4[%mul3A_2, %dma_wait3A_162] : memref<102400x128xf32, #tpu.memory_space<hbm>> -> memref<128x64xf32, #tpu.memory_space<hbm>>
        tpu.wait_dma2 semaphore(%arg13 : memref<!tpu.dma_semaphore, #tpu.memory_space<semaphore_mem>>) src(%arg8 : memref<128x64xf32, #tpu.memory_space<vmem>>) dst(%dma_wait3A_163 : memref<128x64xf32, #tpu.memory_space<hbm>>)
        %add3A_164 = arith.constant 2 : i32
        %add3A_165 = arith.addi %mul3A_99, %add3A_164 : i32
        %dma_start3A_166 = arith.constant 0 : i32
        %dma_start3A_167 = tpu.memref_slice %arg5[%add3A_165, %dma_start3A_166] : memref<25x128xi32, #tpu.memory_space<vmem>> -> memref<1x128xi32, #tpu.memory_space<vmem>>
        %dma_start3A_168 = tpu.memref_squeeze %dma_start3A_167 : memref<1x128xi32, #tpu.memory_space<vmem>> -> memref<128xi32, #tpu.memory_space<vmem>>
        %dma_start3A_169 = arith.constant 0 : i32
        %dma_start3A_170 = arith.constant 0 : i32
        %dma_start3A_171 = tpu.memref_slice %arg2[%dma_start3A_169, %dma_start3A_170] : memref<100000x64xf32, #tpu.memory_space<hbm>> -> memref<100000x64xf32, #tpu.memory_space<hbm>>
        tpu.enqueue_indirect_dma source(%dma_start3A_171 : memref<100000x64xf32, #tpu.memory_space<hbm>>) target(%arg7 : memref<128x64xf32, #tpu.memory_space<vmem>>) offsets(%dma_start3A_168 : memref<128xi32, #tpu.memory_space<vmem>>) semaphore(%arg11 : memref<!tpu.dma_semaphore, #tpu.memory_space<semaphore_mem>>)
        %dma_start3A_172 = arith.constant 0 : i32
        %dma_start3A_173 = tpu.memref_slice %arg6[%add3A_165, %dma_start3A_172] : memref<25x128xi32, #tpu.memory_space<vmem>> -> memref<1x128xi32, #tpu.memory_space<vmem>>
        %dma_start3A_174 = tpu.memref_squeeze %dma_start3A_173 : memref<1x128xi32, #tpu.memory_space<vmem>> -> memref<128xi32, #tpu.memory_space<vmem>>
        %dma_start3A_175 = arith.constant 0 : i32
        %dma_start3A_176 = arith.constant 0 : i32
        %dma_start3A_177 = tpu.memref_slice %arg2[%dma_start3A_175, %dma_start3A_176] : memref<100000x64xf32, #tpu.memory_space<hbm>> -> memref<100000x64xf32, #tpu.memory_space<hbm>>
        tpu.enqueue_indirect_dma source(%dma_start3A_177 : memref<100000x64xf32, #tpu.memory_space<hbm>>) target(%arg8 : memref<128x64xf32, #tpu.memory_space<vmem>>) offsets(%dma_start3A_174 : memref<128xi32, #tpu.memory_space<vmem>>) semaphore(%arg11 : memref<!tpu.dma_semaphore, #tpu.memory_space<semaphore_mem>>)
        %dma_wait3A_178 = arith.constant 0 : i32
        %dma_wait3A_179 = tpu.memref_slice %arg4[%mul3A_2, %dma_wait3A_178] : memref<102400x128xf32, #tpu.memory_space<hbm>> -> memref<128x64xf32, #tpu.memory_space<hbm>>
        %dma_wait3A_180 = arith.constant 0 : i32
        %dma_wait3A_181 = tpu.memref_slice %arg4[%mul3A_2, %dma_wait3A_180] : memref<102400x128xf32, #tpu.memory_space<hbm>> -> memref<128x64xf32, #tpu.memory_space<hbm>>
        tpu.wait_dma2 semaphore(%arg14 : memref<!tpu.dma_semaphore, #tpu.memory_space<semaphore_mem>>) src(%arg9 : memref<128x64xf32, #tpu.memory_space<vmem>>) dst(%dma_wait3A_181 : memref<128x64xf32, #tpu.memory_space<hbm>>)
        %dma_wait3A_182 = arith.constant 64 : i32
        %dma_wait3A_183 = tpu.memref_slice %arg4[%mul3A_2, %dma_wait3A_182] : memref<102400x128xf32, #tpu.memory_space<hbm>> -> memref<128x64xf32, #tpu.memory_space<hbm>>
        %dma_wait3A_184 = arith.constant 64 : i32
        %dma_wait3A_185 = tpu.memref_slice %arg4[%mul3A_2, %dma_wait3A_184] : memref<102400x128xf32, #tpu.memory_space<hbm>> -> memref<128x64xf32, #tpu.memory_space<hbm>>
        tpu.wait_dma2 semaphore(%arg14 : memref<!tpu.dma_semaphore, #tpu.memory_space<semaphore_mem>>) src(%arg10 : memref<128x64xf32, #tpu.memory_space<vmem>>) dst(%dma_wait3A_185 : memref<128x64xf32, #tpu.memory_space<hbm>>)
        %add3A_186 = arith.constant 3 : i32
        %add3A_187 = arith.addi %mul3A_99, %add3A_186 : i32
        %dma_start3A_188 = arith.constant 0 : i32
        %dma_start3A_189 = tpu.memref_slice %arg5[%add3A_187, %dma_start3A_188] : memref<25x128xi32, #tpu.memory_space<vmem>> -> memref<1x128xi32, #tpu.memory_space<vmem>>
        %dma_start3A_190 = tpu.memref_squeeze %dma_start3A_189 : memref<1x128xi32, #tpu.memory_space<vmem>> -> memref<128xi32, #tpu.memory_space<vmem>>
        %dma_start3A_191 = arith.constant 0 : i32
        %dma_start3A_192 = arith.constant 0 : i32
        %dma_start3A_193 = tpu.memref_slice %arg2[%dma_start3A_191, %dma_start3A_192] : memref<100000x64xf32, #tpu.memory_space<hbm>> -> memref<100000x64xf32, #tpu.memory_space<hbm>>
        tpu.enqueue_indirect_dma source(%dma_start3A_193 : memref<100000x64xf32, #tpu.memory_space<hbm>>) target(%arg9 : memref<128x64xf32, #tpu.memory_space<vmem>>) offsets(%dma_start3A_190 : memref<128xi32, #tpu.memory_space<vmem>>) semaphore(%arg12 : memref<!tpu.dma_semaphore, #tpu.memory_space<semaphore_mem>>)
        %dma_start3A_194 = arith.constant 0 : i32
        %dma_start3A_195 = tpu.memref_slice %arg6[%add3A_187, %dma_start3A_194] : memref<25x128xi32, #tpu.memory_space<vmem>> -> memref<1x128xi32, #tpu.memory_space<vmem>>
        %dma_start3A_196 = tpu.memref_squeeze %dma_start3A_195 : memref<1x128xi32, #tpu.memory_space<vmem>> -> memref<128xi32, #tpu.memory_space<vmem>>
        %dma_start3A_197 = arith.constant 0 : i32
        %dma_start3A_198 = arith.constant 0 : i32
        %dma_start3A_199 = tpu.memref_slice %arg2[%dma_start3A_197, %dma_start3A_198] : memref<100000x64xf32, #tpu.memory_space<hbm>> -> memref<100000x64xf32, #tpu.memory_space<hbm>>
        tpu.enqueue_indirect_dma source(%dma_start3A_199 : memref<100000x64xf32, #tpu.memory_space<hbm>>) target(%arg10 : memref<128x64xf32, #tpu.memory_space<vmem>>) offsets(%dma_start3A_196 : memref<128xi32, #tpu.memory_space<vmem>>) semaphore(%arg12 : memref<!tpu.dma_semaphore, #tpu.memory_space<semaphore_mem>>)
      } else {
      }
    }
    %scan3A_35 = arith.constant 12 : i32
    %dma_wait3A = arith.constant 0 : i32
    %dma_wait3A_36 = tpu.memref_slice %arg4[%mul3A_2, %dma_wait3A] : memref<102400x128xf32, #tpu.memory_space<hbm>> -> memref<128x64xf32, #tpu.memory_space<hbm>>
    %dma_wait3A_37 = arith.constant 0 : i32
    %dma_wait3A_38 = tpu.memref_slice %arg4[%mul3A_2, %dma_wait3A_37] : memref<102400x128xf32, #tpu.memory_space<hbm>> -> memref<128x64xf32, #tpu.memory_space<hbm>>
    tpu.wait_dma2 semaphore(%arg13 : memref<!tpu.dma_semaphore, #tpu.memory_space<semaphore_mem>>) src(%arg7 : memref<128x64xf32, #tpu.memory_space<vmem>>) dst(%dma_wait3A_38 : memref<128x64xf32, #tpu.memory_space<hbm>>)
    %dma_wait3A_39 = arith.constant 64 : i32
    %dma_wait3A_40 = tpu.memref_slice %arg4[%mul3A_2, %dma_wait3A_39] : memref<102400x128xf32, #tpu.memory_space<hbm>> -> memref<128x64xf32, #tpu.memory_space<hbm>>
    %dma_wait3A_41 = arith.constant 64 : i32
    %dma_wait3A_42 = tpu.memref_slice %arg4[%mul3A_2, %dma_wait3A_41] : memref<102400x128xf32, #tpu.memory_space<hbm>> -> memref<128x64xf32, #tpu.memory_space<hbm>>
    tpu.wait_dma2 semaphore(%arg13 : memref<!tpu.dma_semaphore, #tpu.memory_space<semaphore_mem>>) src(%arg8 : memref<128x64xf32, #tpu.memory_space<vmem>>) dst(%dma_wait3A_42 : memref<128x64xf32, #tpu.memory_space<hbm>>)
    %dma_wait3A_43 = arith.constant 0 : i32
    %dma_wait3A_44 = tpu.memref_slice %arg4[%mul3A_2, %dma_wait3A_43] : memref<102400x128xf32, #tpu.memory_space<hbm>> -> memref<128x64xf32, #tpu.memory_space<hbm>>
    %dma_wait3A_45 = arith.constant 0 : i32
    %dma_wait3A_46 = tpu.memref_slice %arg4[%mul3A_2, %dma_wait3A_45] : memref<102400x128xf32, #tpu.memory_space<hbm>> -> memref<128x64xf32, #tpu.memory_space<hbm>>
    tpu.wait_dma2 semaphore(%arg14 : memref<!tpu.dma_semaphore, #tpu.memory_space<semaphore_mem>>) src(%arg9 : memref<128x64xf32, #tpu.memory_space<vmem>>) dst(%dma_wait3A_46 : memref<128x64xf32, #tpu.memory_space<hbm>>)
    %dma_wait3A_47 = arith.constant 64 : i32
    %dma_wait3A_48 = tpu.memref_slice %arg4[%mul3A_2, %dma_wait3A_47] : memref<102400x128xf32, #tpu.memory_space<hbm>> -> memref<128x64xf32, #tpu.memory_space<hbm>>
    %dma_wait3A_49 = arith.constant 64 : i32
    %dma_wait3A_50 = tpu.memref_slice %arg4[%mul3A_2, %dma_wait3A_49] : memref<102400x128xf32, #tpu.memory_space<hbm>> -> memref<128x64xf32, #tpu.memory_space<hbm>>
    tpu.wait_dma2 semaphore(%arg14 : memref<!tpu.dma_semaphore, #tpu.memory_space<semaphore_mem>>) src(%arg10 : memref<128x64xf32, #tpu.memory_space<vmem>>) dst(%dma_wait3A_50 : memref<128x64xf32, #tpu.memory_space<hbm>>)
    %dma_start3A_51 = arith.constant 24 : i32
    %dma_start3A_52 = arith.constant 0 : i32
    %dma_start3A_53 = tpu.memref_slice %arg5[%dma_start3A_51, %dma_start3A_52] : memref<25x128xi32, #tpu.memory_space<vmem>> -> memref<1x128xi32, #tpu.memory_space<vmem>>
    %dma_start3A_54 = tpu.memref_squeeze %dma_start3A_53 : memref<1x128xi32, #tpu.memory_space<vmem>> -> memref<128xi32, #tpu.memory_space<vmem>>
    %dma_start3A_55 = arith.constant 0 : i32
    %dma_start3A_56 = arith.constant 0 : i32
    %dma_start3A_57 = tpu.memref_slice %arg2[%dma_start3A_55, %dma_start3A_56] : memref<100000x64xf32, #tpu.memory_space<hbm>> -> memref<100000x64xf32, #tpu.memory_space<hbm>>
    tpu.enqueue_indirect_dma source(%dma_start3A_57 : memref<100000x64xf32, #tpu.memory_space<hbm>>) target(%arg7 : memref<128x64xf32, #tpu.memory_space<vmem>>) offsets(%dma_start3A_54 : memref<128xi32, #tpu.memory_space<vmem>>) semaphore(%arg11 : memref<!tpu.dma_semaphore, #tpu.memory_space<semaphore_mem>>)
    %dma_start3A_58 = arith.constant 24 : i32
    %dma_start3A_59 = arith.constant 0 : i32
    %dma_start3A_60 = tpu.memref_slice %arg6[%dma_start3A_58, %dma_start3A_59] : memref<25x128xi32, #tpu.memory_space<vmem>> -> memref<1x128xi32, #tpu.memory_space<vmem>>
    %dma_start3A_61 = tpu.memref_squeeze %dma_start3A_60 : memref<1x128xi32, #tpu.memory_space<vmem>> -> memref<128xi32, #tpu.memory_space<vmem>>
    %dma_start3A_62 = arith.constant 0 : i32
    %dma_start3A_63 = arith.constant 0 : i32
    %dma_start3A_64 = tpu.memref_slice %arg2[%dma_start3A_62, %dma_start3A_63] : memref<100000x64xf32, #tpu.memory_space<hbm>> -> memref<100000x64xf32, #tpu.memory_space<hbm>>
    tpu.enqueue_indirect_dma source(%dma_start3A_64 : memref<100000x64xf32, #tpu.memory_space<hbm>>) target(%arg8 : memref<128x64xf32, #tpu.memory_space<vmem>>) offsets(%dma_start3A_61 : memref<128xi32, #tpu.memory_space<vmem>>) semaphore(%arg11 : memref<!tpu.dma_semaphore, #tpu.memory_space<semaphore_mem>>)
    %dma_wait3A_65 = arith.constant 0 : i32
    %dma_wait3A_66 = arith.constant 0 : i32
    %dma_wait3A_67 = tpu.memref_slice %arg5[%dma_wait3A_65, %dma_wait3A_66] : memref<25x128xi32, #tpu.memory_space<vmem>> -> memref<1x128xi32, #tpu.memory_space<vmem>>
    %dma_wait3A_68 = tpu.memref_squeeze %dma_wait3A_67 : memref<1x128xi32, #tpu.memory_space<vmem>> -> memref<128xi32, #tpu.memory_space<vmem>>
    %dma_wait3A_69 = arith.constant 0 : i32
    %dma_wait3A_70 = arith.constant 0 : i32
    %dma_wait3A_71 = tpu.memref_slice %arg2[%dma_wait3A_69, %dma_wait3A_70] : memref<100000x64xf32, #tpu.memory_space<hbm>> -> memref<100000x64xf32, #tpu.memory_space<hbm>>
    tpu.wait_indirect_dma semaphore(%arg11 : memref<!tpu.dma_semaphore, #tpu.memory_space<semaphore_mem>>) src(%dma_wait3A_71 : memref<100000x64xf32, #tpu.memory_space<hbm>>) dst(%arg7 : memref<128x64xf32, #tpu.memory_space<vmem>>)
    %dma_wait3A_72 = arith.constant 0 : i32
    %dma_wait3A_73 = arith.constant 0 : i32
    %dma_wait3A_74 = tpu.memref_slice %arg6[%dma_wait3A_72, %dma_wait3A_73] : memref<25x128xi32, #tpu.memory_space<vmem>> -> memref<1x128xi32, #tpu.memory_space<vmem>>
    %dma_wait3A_75 = tpu.memref_squeeze %dma_wait3A_74 : memref<1x128xi32, #tpu.memory_space<vmem>> -> memref<128xi32, #tpu.memory_space<vmem>>
    %dma_wait3A_76 = arith.constant 0 : i32
    %dma_wait3A_77 = arith.constant 0 : i32
    %dma_wait3A_78 = tpu.memref_slice %arg2[%dma_wait3A_76, %dma_wait3A_77] : memref<100000x64xf32, #tpu.memory_space<hbm>> -> memref<100000x64xf32, #tpu.memory_space<hbm>>
    tpu.wait_indirect_dma semaphore(%arg11 : memref<!tpu.dma_semaphore, #tpu.memory_space<semaphore_mem>>) src(%dma_wait3A_78 : memref<100000x64xf32, #tpu.memory_space<hbm>>) dst(%arg8 : memref<128x64xf32, #tpu.memory_space<vmem>>)
    %add3A_79 = arith.constant 3072 : i32
    %add3A_80 = arith.addi %mul3A_2, %add3A_79 : i32
    %dma_start3A_81 = arith.constant 0 : i32
    %dma_start3A_82 = tpu.memref_slice %arg4[%add3A_80, %dma_start3A_81] : memref<102400x128xf32, #tpu.memory_space<hbm>> -> memref<128x64xf32, #tpu.memory_space<hbm>>
    %dma_start3A_83 = arith.constant 0 : i32
    %dma_start3A_84 = tpu.memref_slice %arg4[%add3A_80, %dma_start3A_83] : memref<102400x128xf32, #tpu.memory_space<hbm>> -> memref<128x64xf32, #tpu.memory_space<hbm>>
    tpu.enqueue_dma source(%arg7 : memref<128x64xf32, #tpu.memory_space<vmem>>) target(%dma_start3A_84 : memref<128x64xf32, #tpu.memory_space<hbm>>) target_semaphore(%arg13 : memref<!tpu.dma_semaphore, #tpu.memory_space<semaphore_mem>>)
    %dma_start3A_85 = arith.constant 64 : i32
    %dma_start3A_86 = tpu.memref_slice %arg4[%add3A_80, %dma_start3A_85] : memref<102400x128xf32, #tpu.memory_space<hbm>> -> memref<128x64xf32, #tpu.memory_space<hbm>>
    %dma_start3A_87 = arith.constant 64 : i32
    %dma_start3A_88 = tpu.memref_slice %arg4[%add3A_80, %dma_start3A_87] : memref<102400x128xf32, #tpu.memory_space<hbm>> -> memref<128x64xf32, #tpu.memory_space<hbm>>
    tpu.enqueue_dma source(%arg8 : memref<128x64xf32, #tpu.memory_space<vmem>>) target(%dma_start3A_88 : memref<128x64xf32, #tpu.memory_space<hbm>>) target_semaphore(%arg13 : memref<!tpu.dma_semaphore, #tpu.memory_space<semaphore_mem>>)
    %dma_wait3A_89 = arith.constant 0 : i32
    %dma_wait3A_90 = tpu.memref_slice %arg4[%mul3A_2, %dma_wait3A_89] : memref<102400x128xf32, #tpu.memory_space<hbm>> -> memref<128x64xf32, #tpu.memory_space<hbm>>
    %dma_wait3A_91 = arith.constant 0 : i32
    %dma_wait3A_92 = tpu.memref_slice %arg4[%mul3A_2, %dma_wait3A_91] : memref<102400x128xf32, #tpu.memory_space<hbm>> -> memref<128x64xf32, #tpu.memory_space<hbm>>
    tpu.wait_dma2 semaphore(%arg13 : memref<!tpu.dma_semaphore, #tpu.memory_space<semaphore_mem>>) src(%arg7 : memref<128x64xf32, #tpu.memory_space<vmem>>) dst(%dma_wait3A_92 : memref<128x64xf32, #tpu.memory_space<hbm>>)
    %dma_wait3A_93 = arith.constant 64 : i32
    %dma_wait3A_94 = tpu.memref_slice %arg4[%mul3A_2, %dma_wait3A_93] : memref<102400x128xf32, #tpu.memory_space<hbm>> -> memref<128x64xf32, #tpu.memory_space<hbm>>
    %dma_wait3A_95 = arith.constant 64 : i32
    %dma_wait3A_96 = tpu.memref_slice %arg4[%mul3A_2, %dma_wait3A_95] : memref<102400x128xf32, #tpu.memory_space<hbm>> -> memref<128x64xf32, #tpu.memory_space<hbm>>
    tpu.wait_dma2 semaphore(%arg13 : memref<!tpu.dma_semaphore, #tpu.memory_space<semaphore_mem>>) src(%arg8 : memref<128x64xf32, #tpu.memory_space<vmem>>) dst(%dma_wait3A_96 : memref<128x64xf32, #tpu.memory_space<hbm>>)
    return
  }
}

module attributes {stable_mosaic.version = 14 : i64} {
  func.func @_conv_body_half(%arg0: i32, %arg1: memref<4x384x128xbf16, #tpu.memory_space<vmem>>, %arg2: memref<6400x128xf32, #tpu.memory_space<vmem>>, %arg3: memref<2x32x200x64xf32, #tpu.memory_space<vmem>>) attributes {dimension_semantics = [#tpu.dimension_semantics<arbitrary>], iteration_bounds = array<i64: 16>, scalar_prefetch = 0 : i64, scratch_operands = 0 : i64, tpu.core_type = #tpu.core_type<tc>, window_params = [{pipeline_mode = #tpu.pipeline_mode<synchronous>, transform_indices = @transform_0, window_bounds = array<i64: 4, 384, 128>}, {transform_indices = @transform_1, window_bounds = array<i64: 6400, 128>}, {transform_indices = @transform_2, window_bounds = array<i64: 2, 32, 200, 64>}]} {
    %get3A = arith.constant 0 : index
    %get3A_0 = arith.constant 0 : index
    %get3A_1 = vector.load %arg2[%get3A, %get3A_0] : memref<6400x128xf32, #tpu.memory_space<vmem>>, vector<6400x128xf32>
    %iota3A = tpu.iota {dimensions = array<i32: 0>} : vector<6400x1xi32>
    %jit3A = arith.constant 200 : i32
    %eq3A = arith.constant 0 : i32
    %eq3A_2 = arith.cmpi eq, %jit3A, %eq3A : i32
    %jit3A_3 = arith.constant 1 : i32
    %select_n3A = arith.select %eq3A_2, %jit3A_3, %jit3A : i32
    %rem3A = vector.broadcast %select_n3A : i32 to vector<6400x1xi32>
    %rem3A_4 = arith.remsi %iota3A, %rem3A : vector<6400x1xi32>
    %ne3A = arith.constant 0 : i32
    %ne3A_5 = vector.broadcast %ne3A : i32 to vector<6400x1xi32>
    %ne3A_6 = arith.cmpi ne, %rem3A_4, %ne3A_5 : vector<6400x1xi32>
    %lt3A = arith.constant 0 : i32
    %lt3A_7 = vector.broadcast %lt3A : i32 to vector<6400x1xi32>
    %lt3A_8 = arith.cmpi slt, %rem3A_4, %lt3A_7 : vector<6400x1xi32>
    %lt3A_9 = arith.constant 0 : i32
    %lt3A_10 = arith.cmpi slt, %select_n3A, %lt3A_9 : i32
    %ne3A_11 = vector.broadcast %lt3A_10 : i1 to vector<6400x1xi1>
    %ne3A_12 = vector.broadcast %ne3A_11 : vector<6400x1xi1> to vector<6400x1xi1>
    %ne3A_13 = arith.xori %lt3A_8, %ne3A_12 : vector<6400x1xi1>
    %and3A = arith.andi %ne3A_13, %ne3A_6 : vector<6400x1xi1>
    %add3A = vector.broadcast %select_n3A : i32 to vector<6400x1xi32>
    %add3A_14 = arith.addi %rem3A_4, %add3A : vector<6400x1xi32>
    %select_n3A_15 = arith.select %and3A, %add3A_14, %rem3A_4 : vector<6400x1xi1>, vector<6400x1xi32>
    %ne3A_16 = arith.constant 0 : i32
    %ne3A_17 = vector.broadcast %ne3A_16 : i32 to vector<6400x1xi32>
    %ne3A_18 = arith.cmpi ne, %select_n3A_15, %ne3A_17 : vector<6400x1xi32>
    %ne3A_19 = arith.constant 199 : i32
    %ne3A_20 = vector.broadcast %ne3A_19 : i32 to vector<6400x1xi32>
    %ne3A_21 = arith.cmpi ne, %select_n3A_15, %ne3A_20 : vector<6400x1xi32>
    %broadcast_in_dim3A = arith.constant 0.000000e+00 : f32
    %broadcast_in_dim3A_22 = vector.broadcast %broadcast_in_dim3A : f32 to vector<1x128xf32>
    %slice3A = vector.extract_strided_slice %get3A_1 {offsets = [0, 0], sizes = [6399, 128], strides = [1, 1]} : vector<6400x128xf32> to vector<6399x128xf32>
    %concatenate3A = tpu.concatenate %broadcast_in_dim3A_22, %slice3A in 0 : vector<1x128xf32>, vector<6399x128xf32> -> vector<6400x128xf32>
    %jit3A_23 = arith.constant 0.000000e+00 : f32
    %broadcast_in_dim3A_24 = vector.shape_cast %ne3A_18 : vector<6400x1xi1> to vector<6400x1xi1>
    %broadcast_in_dim3A_25 = vector.broadcast %broadcast_in_dim3A_24 : vector<6400x1xi1> to vector<6400x128xi1>
    %broadcast_in_dim3A_26 = vector.broadcast %jit3A_23 : f32 to vector<6400x128xf32>
    %select_n3A_27 = arith.select %broadcast_in_dim3A_25, %concatenate3A, %broadcast_in_dim3A_26 : vector<6400x128xi1>, vector<6400x128xf32>
    %slice3A_28 = vector.extract_strided_slice %get3A_1 {offsets = [1, 0], sizes = [6399, 128], strides = [1, 1]} : vector<6400x128xf32> to vector<6399x128xf32>
    %concatenate3A_29 = tpu.concatenate %slice3A_28, %broadcast_in_dim3A_22 in 0 : vector<6399x128xf32>, vector<1x128xf32> -> vector<6400x128xf32>
    %jit3A_30 = arith.constant 0.000000e+00 : f32
    %broadcast_in_dim3A_31 = vector.shape_cast %ne3A_21 : vector<6400x1xi1> to vector<6400x1xi1>
    %broadcast_in_dim3A_32 = vector.broadcast %broadcast_in_dim3A_31 : vector<6400x1xi1> to vector<6400x128xi1>
    %broadcast_in_dim3A_33 = vector.broadcast %jit3A_30 : f32 to vector<6400x128xf32>
    %select_n3A_34 = arith.select %broadcast_in_dim3A_32, %concatenate3A_29, %broadcast_in_dim3A_33 : vector<6400x128xi1>, vector<6400x128xf32>
    %concatenate3A_35 = tpu.concatenate %select_n3A_27, %get3A_1, %select_n3A_34 in 1 : vector<6400x128xf32>, vector<6400x128xf32>, vector<6400x128xf32> -> vector<6400x384xf32>
    %convert_element_type3A = arith.truncf %concatenate3A_35 : vector<6400x384xf32> to vector<6400x384xbf16>
    %get3A_36 = arith.constant 0 : index
    %get3A_37 = arith.constant 0 : index
    %get3A_38 = arith.constant 0 : index
    %get3A_39 = vector.load %arg1[%get3A_36, %get3A_37, %get3A_38] : memref<4x384x128xbf16, #tpu.memory_space<vmem>>, vector<1x384x128xbf16>
    %get3A_40 = vector.shape_cast %get3A_39 : vector<1x384x128xbf16> to vector<384x128xbf16>
    %dot_general3A = arith.constant dense<0.000000e+00> : vector<6400x128xf32>
    %dot_general3A_41 = tpu.matmul %convert_element_type3A, %get3A_40, %dot_general3A {dimension_numbers = #tpu.dot_dimension_numbers<[1], [0], [0], [1], [0, 0, 1, 1], [], []>, transpose_lhs_hint = false} : vector<6400x384xbf16>, vector<384x128xbf16>, vector<6400x128xf32> -> vector<6400x128xf32>
    %max3A = arith.constant 0.000000e+00 : f32
    %max3A_42 = vector.broadcast %max3A : f32 to vector<6400x128xf32>
    %max3A_43 = arith.maximumf %dot_general3A_41, %max3A_42 : vector<6400x128xf32>
    %slice3A_44 = vector.extract_strided_slice %max3A_43 {offsets = [0, 0], sizes = [6399, 128], strides = [1, 1]} : vector<6400x128xf32> to vector<6399x128xf32>
    %concatenate3A_45 = tpu.concatenate %broadcast_in_dim3A_22, %slice3A_44 in 0 : vector<1x128xf32>, vector<6399x128xf32> -> vector<6400x128xf32>
    %jit3A_46 = arith.constant 0.000000e+00 : f32
    %broadcast_in_dim3A_47 = vector.shape_cast %ne3A_18 : vector<6400x1xi1> to vector<6400x1xi1>
    %broadcast_in_dim3A_48 = vector.broadcast %broadcast_in_dim3A_47 : vector<6400x1xi1> to vector<6400x128xi1>
    %broadcast_in_dim3A_49 = vector.broadcast %jit3A_46 : f32 to vector<6400x128xf32>
    %select_n3A_50 = arith.select %broadcast_in_dim3A_48, %concatenate3A_45, %broadcast_in_dim3A_49 : vector<6400x128xi1>, vector<6400x128xf32>
    %slice3A_51 = vector.extract_strided_slice %max3A_43 {offsets = [1, 0], sizes = [6399, 128], strides = [1, 1]} : vector<6400x128xf32> to vector<6399x128xf32>
    %concatenate3A_52 = tpu.concatenate %slice3A_51, %broadcast_in_dim3A_22 in 0 : vector<6399x128xf32>, vector<1x128xf32> -> vector<6400x128xf32>
    %jit3A_53 = arith.constant 0.000000e+00 : f32
    %broadcast_in_dim3A_54 = vector.shape_cast %ne3A_21 : vector<6400x1xi1> to vector<6400x1xi1>
    %broadcast_in_dim3A_55 = vector.broadcast %broadcast_in_dim3A_54 : vector<6400x1xi1> to vector<6400x128xi1>
    %broadcast_in_dim3A_56 = vector.broadcast %jit3A_53 : f32 to vector<6400x128xf32>
    %select_n3A_57 = arith.select %broadcast_in_dim3A_55, %concatenate3A_52, %broadcast_in_dim3A_56 : vector<6400x128xi1>, vector<6400x128xf32>
    %concatenate3A_58 = tpu.concatenate %select_n3A_50, %max3A_43, %select_n3A_57 in 1 : vector<6400x128xf32>, vector<6400x128xf32>, vector<6400x128xf32> -> vector<6400x384xf32>
    %convert_element_type3A_59 = arith.truncf %concatenate3A_58 : vector<6400x384xf32> to vector<6400x384xbf16>
    %get3A_60 = arith.constant 1 : index
    %get3A_61 = arith.constant 0 : index
    %get3A_62 = arith.constant 0 : index
    %get3A_63 = vector.load %arg1[%get3A_60, %get3A_61, %get3A_62] : memref<4x384x128xbf16, #tpu.memory_space<vmem>>, vector<1x384x128xbf16>
    %get3A_64 = vector.shape_cast %get3A_63 : vector<1x384x128xbf16> to vector<384x128xbf16>
    %dot_general3A_65 = arith.constant dense<0.000000e+00> : vector<6400x128xf32>
    %dot_general3A_66 = tpu.matmul %convert_element_type3A_59, %get3A_64, %dot_general3A_65 {dimension_numbers = #tpu.dot_dimension_numbers<[1], [0], [0], [1], [0, 0, 1, 1], [], []>, transpose_lhs_hint = false} : vector<6400x384xbf16>, vector<384x128xbf16>, vector<6400x128xf32> -> vector<6400x128xf32>
    %max3A_67 = arith.constant 0.000000e+00 : f32
    %max3A_68 = vector.broadcast %max3A_67 : f32 to vector<6400x128xf32>
    %max3A_69 = arith.maximumf %dot_general3A_66, %max3A_68 : vector<6400x128xf32>
    %slice3A_70 = vector.extract_strided_slice %max3A_69 {offsets = [0, 0], sizes = [6399, 128], strides = [1, 1]} : vector<6400x128xf32> to vector<6399x128xf32>
    %concatenate3A_71 = tpu.concatenate %broadcast_in_dim3A_22, %slice3A_70 in 0 : vector<1x128xf32>, vector<6399x128xf32> -> vector<6400x128xf32>
    %jit3A_72 = arith.constant 0.000000e+00 : f32
    %broadcast_in_dim3A_73 = vector.shape_cast %ne3A_18 : vector<6400x1xi1> to vector<6400x1xi1>
    %broadcast_in_dim3A_74 = vector.broadcast %broadcast_in_dim3A_73 : vector<6400x1xi1> to vector<6400x128xi1>
    %broadcast_in_dim3A_75 = vector.broadcast %jit3A_72 : f32 to vector<6400x128xf32>
    %select_n3A_76 = arith.select %broadcast_in_dim3A_74, %concatenate3A_71, %broadcast_in_dim3A_75 : vector<6400x128xi1>, vector<6400x128xf32>
    %slice3A_77 = vector.extract_strided_slice %max3A_69 {offsets = [1, 0], sizes = [6399, 128], strides = [1, 1]} : vector<6400x128xf32> to vector<6399x128xf32>
    %concatenate3A_78 = tpu.concatenate %slice3A_77, %broadcast_in_dim3A_22 in 0 : vector<6399x128xf32>, vector<1x128xf32> -> vector<6400x128xf32>
    %jit3A_79 = arith.constant 0.000000e+00 : f32
    %broadcast_in_dim3A_80 = vector.shape_cast %ne3A_21 : vector<6400x1xi1> to vector<6400x1xi1>
    %broadcast_in_dim3A_81 = vector.broadcast %broadcast_in_dim3A_80 : vector<6400x1xi1> to vector<6400x128xi1>
    %broadcast_in_dim3A_82 = vector.broadcast %jit3A_79 : f32 to vector<6400x128xf32>
    %select_n3A_83 = arith.select %broadcast_in_dim3A_81, %concatenate3A_78, %broadcast_in_dim3A_82 : vector<6400x128xi1>, vector<6400x128xf32>
    %concatenate3A_84 = tpu.concatenate %select_n3A_76, %max3A_69, %select_n3A_83 in 1 : vector<6400x128xf32>, vector<6400x128xf32>, vector<6400x128xf32> -> vector<6400x384xf32>
    %convert_element_type3A_85 = arith.truncf %concatenate3A_84 : vector<6400x384xf32> to vector<6400x384xbf16>
    %get3A_86 = arith.constant 2 : index
    %get3A_87 = arith.constant 0 : index
    %get3A_88 = arith.constant 0 : index
    %get3A_89 = vector.load %arg1[%get3A_86, %get3A_87, %get3A_88] : memref<4x384x128xbf16, #tpu.memory_space<vmem>>, vector<1x384x128xbf16>
    %get3A_90 = vector.shape_cast %get3A_89 : vector<1x384x128xbf16> to vector<384x128xbf16>
    %dot_general3A_91 = arith.constant dense<0.000000e+00> : vector<6400x128xf32>
    %dot_general3A_92 = tpu.matmul %convert_element_type3A_85, %get3A_90, %dot_general3A_91 {dimension_numbers = #tpu.dot_dimension_numbers<[1], [0], [0], [1], [0, 0, 1, 1], [], []>, transpose_lhs_hint = false} : vector<6400x384xbf16>, vector<384x128xbf16>, vector<6400x128xf32> -> vector<6400x128xf32>
    %max3A_93 = arith.constant 0.000000e+00 : f32
    %max3A_94 = vector.broadcast %max3A_93 : f32 to vector<6400x128xf32>
    %max3A_95 = arith.maximumf %dot_general3A_92, %max3A_94 : vector<6400x128xf32>
    %slice3A_96 = vector.extract_strided_slice %max3A_95 {offsets = [0, 0], sizes = [6399, 128], strides = [1, 1]} : vector<6400x128xf32> to vector<6399x128xf32>
    %concatenate3A_97 = tpu.concatenate %broadcast_in_dim3A_22, %slice3A_96 in 0 : vector<1x128xf32>, vector<6399x128xf32> -> vector<6400x128xf32>
    %jit3A_98 = arith.constant 0.000000e+00 : f32
    %broadcast_in_dim3A_99 = vector.shape_cast %ne3A_18 : vector<6400x1xi1> to vector<6400x1xi1>
    %broadcast_in_dim3A_100 = vector.broadcast %broadcast_in_dim3A_99 : vector<6400x1xi1> to vector<6400x128xi1>
    %broadcast_in_dim3A_101 = vector.broadcast %jit3A_98 : f32 to vector<6400x128xf32>
    %select_n3A_102 = arith.select %broadcast_in_dim3A_100, %concatenate3A_97, %broadcast_in_dim3A_101 : vector<6400x128xi1>, vector<6400x128xf32>
    %slice3A_103 = vector.extract_strided_slice %max3A_95 {offsets = [1, 0], sizes = [6399, 128], strides = [1, 1]} : vector<6400x128xf32> to vector<6399x128xf32>
    %concatenate3A_104 = tpu.concatenate %slice3A_103, %broadcast_in_dim3A_22 in 0 : vector<6399x128xf32>, vector<1x128xf32> -> vector<6400x128xf32>
    %jit3A_105 = arith.constant 0.000000e+00 : f32
    %broadcast_in_dim3A_106 = vector.shape_cast %ne3A_21 : vector<6400x1xi1> to vector<6400x1xi1>
    %broadcast_in_dim3A_107 = vector.broadcast %broadcast_in_dim3A_106 : vector<6400x1xi1> to vector<6400x128xi1>
    %broadcast_in_dim3A_108 = vector.broadcast %jit3A_105 : f32 to vector<6400x128xf32>
    %select_n3A_109 = arith.select %broadcast_in_dim3A_107, %concatenate3A_104, %broadcast_in_dim3A_108 : vector<6400x128xi1>, vector<6400x128xf32>
    %concatenate3A_110 = tpu.concatenate %select_n3A_102, %max3A_95, %select_n3A_109 in 1 : vector<6400x128xf32>, vector<6400x128xf32>, vector<6400x128xf32> -> vector<6400x384xf32>
    %convert_element_type3A_111 = arith.truncf %concatenate3A_110 : vector<6400x384xf32> to vector<6400x384xbf16>
    %get3A_112 = arith.constant 3 : index
    %get3A_113 = arith.constant 0 : index
    %get3A_114 = arith.constant 0 : index
    %get3A_115 = vector.load %arg1[%get3A_112, %get3A_113, %get3A_114] : memref<4x384x128xbf16, #tpu.memory_space<vmem>>, vector<1x384x128xbf16>
    %get3A_116 = vector.shape_cast %get3A_115 : vector<1x384x128xbf16> to vector<384x128xbf16>
    %dot_general3A_117 = arith.constant dense<0.000000e+00> : vector<6400x128xf32>
    %dot_general3A_118 = tpu.matmul %convert_element_type3A_111, %get3A_116, %dot_general3A_117 {dimension_numbers = #tpu.dot_dimension_numbers<[1], [0], [0], [1], [0, 0, 1, 1], [], []>, transpose_lhs_hint = false} : vector<6400x384xbf16>, vector<384x128xbf16>, vector<6400x128xf32> -> vector<6400x128xf32>
    %max3A_119 = arith.constant 0.000000e+00 : f32
    %max3A_120 = vector.broadcast %max3A_119 : f32 to vector<6400x128xf32>
    %max3A_121 = arith.maximumf %dot_general3A_118, %max3A_120 : vector<6400x128xf32>
    %slice3A_122 = vector.extract_strided_slice %max3A_121 {offsets = [0, 0], sizes = [6400, 64], strides = [1, 1]} : vector<6400x128xf32> to vector<6400x64xf32>
    %reshape3A = vector.shape_cast %slice3A_122 : vector<6400x64xf32> to vector<1x32x200x64xf32>
    %slice3A_123 = vector.extract_strided_slice %max3A_121 {offsets = [0, 64], sizes = [6400, 64], strides = [1, 1]} : vector<6400x128xf32> to vector<6400x64xf32>
    %reshape3A_124 = vector.shape_cast %slice3A_123 : vector<6400x64xf32> to vector<1x32x200x64xf32>
    %concatenate3A_125 = tpu.concatenate %reshape3A, %reshape3A_124 in 0 : vector<1x32x200x64xf32>, vector<1x32x200x64xf32> -> vector<2x32x200x64xf32>
    %swap3A = arith.constant 0 : index
    %swap3A_126 = arith.constant 0 : index
    %swap3A_127 = arith.constant 0 : index
    %swap3A_128 = arith.constant 0 : index
    %swap3A_129 = vector.load %arg3[%swap3A, %swap3A_126, %swap3A_127, %swap3A_128] : memref<2x32x200x64xf32, #tpu.memory_space<vmem>>, vector<2x32x200x64xf32>
    tpu.vector_store %arg3[%swap3A, %swap3A_126, %swap3A_127, %swap3A_128], %concatenate3A_125 {strides = array<i32>} : memref<2x32x200x64xf32, #tpu.memory_space<vmem>>, vector<2x32x200x64xf32>,
    return
  }
  func.func @transform_0(%arg0: i32) -> (i32, i32, i32) {
    %c0_i32 = arith.constant 0 : i32
    %c0_i32_0 = arith.constant 0 : i32
    %c0_i32_1 = arith.constant 0 : i32
    %c0_i32_2 = arith.constant 0 : i32
    return %c0_i32, %c0_i32_0, %c0_i32_1 : i32, i32, i32
  }
  func.func @transform_1(%arg0: i32) -> (i32, i32) {
    %c0_i32 = arith.constant 0 : i32
    %c0_i32_0 = arith.constant 0 : i32
    return %arg0, %c0_i32 : i32, i32
  }
  func.func @transform_2(%arg0: i32) -> (i32, i32, i32, i32) {
    %c0_i32 = arith.constant 0 : i32
    %c0_i32_0 = arith.constant 0 : i32
    %c0_i32_1 = arith.constant 0 : i32
    %c0_i32_2 = arith.constant 0 : i32
    return %c0_i32, %arg0, %c0_i32_0, %c0_i32_1 : i32, i32, i32, i32
  }
}

</mosaic_0001>

<sc_bundles>
// kernel: kernel.4.cloned.1.call-start
scs
__scs_entry_jumppad:
0x0: {  	(pc) =	sbr.rel $0x88, $3  }
0x1: {  	(tag) =	ssettag $0x0;
	lr =	simm.s32 $0x1  }
0x2: {  	[smem:$0x3F9B] =	sst lr;
	_ =	strace $0xD0000000  }
0x3: {  	_ = 	snop  }
0x4: {  	_ = 	snop  }
0x5: {  	_ = 	snop  }
0x6: {  	_ = 	snop  }
0x7: {  	_ = 	snop  }
__scs_overlays_trampoline_lowered:
0x8: {  	[smem:$0x3FAA] =	sst s0  }
0x9: {  	[smem:$0x3FAB] =	sst s1  }
0xa: {  	[smem:$0x3FAC] =	sst s2  }
0xb: {  	[smem:$0x3FAD] =	sst s3  }
0xc: {  	[smem:$0x3FAE] =	sst s4  }
0xd: {  	[smem:$0x3FAF] =	sst s5  }
0xe: {  	[smem:$0x3FB0] =	sst s6  }
0xf: {  	[smem:$0x3FB1] =	sst s7  }
0x10: {  	[smem:$0x3FB2] =	sst s8  }
0x11: {  	[smem:$0x3FB3] =	sst s9;
	s0 =	simm.s32 @!p0 $0x0  }
0x12: {  	s1 =	sld [smem:$0x3F99];
	s0 =	simm.s32 @p0 $0x1  }
0x13: {  	[smem:$0x3FB4] =	sst s0;
	s0 =	simm.s32 @!p1 $0x0  }
0x14: {  	s2 =	sld [smem:$0x3F98];
	s0 =	simm.s32 @p1 $0x1  }
0x15: {  	[smem:$0x3FB5] =	sst s0;
	s0 =	simm.s32 @!p2 $0x0  }
0x16: {  	s3 =	sld [smem:$0x3FDB];
	s0 =	simm.s32 @p2 $0x1  }
0x17: {  	s4 =	simm.s32 $0x1BF5;
	[smem:$0x3FB7] =	sst s0  }
0x18: {  	s0 =	sld [smem:$0x3F9A];
	_ =	swait.ge [sflag:s4], $0x0  }
0x19: {  	s7 =	sld [smem:$0x3F9B]  }
0x1a: {  	s8 =	sadd.s32 $0xFFFFE003, lr  }
0x1b: {  	s9 =	sadd.s32 $0xFFFFFEF7, lr;
	s5 =	simm.s32 $0xFFFFFFFF;
	p2 =	slt.u32 s8, $0xFFFFF086  }
0x1c: {  	p1 =	slt.u32 s9, $0xF7A;
	s5 =	simm.s32 @!p2 $0x0  }
0x1d: {  	s5 =	simm.s32 @p1 $0x1;
	p0 =	seq.s32 s7, s2  }
0x1e: {  	s7 =	smul.u32 @!p0 $0xF7A, s2;
	p2 =	seq.s32 @!p0 s5, $0x0  }
0x1f: {  	s9 =	smul.u32 $0xF7A, s1;
	s8 =	simm.s32 @!p0 $0x1BF5;
	p2 =	por !p2, p0  }
0x20: {  	[sflag:s8] =	ssyncset.s32 @!p0 $0xFFFFF086;
	s6 =	sadd.s32 @!p0 s3, s7;
	s7 =	simm.s32 @!p0 $0x108  }
0x21: {  	s3 =	sadd.s32 s3, s9;
	s6 =	sadd.s32 @!p0 $0x88, s6;
	s7 =	simm.s32 @p2 $0x1082  }
0x22: {  	[simem:s7], [sflag:s8] =	dma.local @!p0 [hbm:s6], $0xF7A  }
0x23: {  	s9 =	sor.u32 $0xD0000000, s2;
	s6 =	simm.s32 $0x108;
	_ =	swait.ge @!p0 [sflag:s8], $0x0  }
0x24: {  	s3 =	sadd.s32 $0x88, s3;
	s6 =	simm.s32 @!p1 $0x1082;
	[sflag:s4] =	ssyncset.s32 $0xFFFFF086  }
0x25: {  	[simem:s6], [sflag:s4] =	dma.local [hbm:s3], $0xF7A  }
0x26: {  	[smem:$0x3F9B] =	sst s1;
	(tag) =	ssettag s2;
	_ =	strace s9  }
0x27: {  	s1 =	sld [smem:$0x3FAB]  }
0x28: {  	s2 =	sld [smem:$0x3FAC]  }
0x29: {  	s4 =	sld [smem:$0x3FAE]  }
0x2a: {  	p0 =	seq.s32 s5, $0x0;
	s5 =	sld [smem:$0x3FAF]  }
0x2b: {  	s6 =	sld [smem:$0x3FB0]  }
0x2c: {  	s7 =	sld [smem:$0x3FB1]  }
0x2d: {  	s3 =	simm.s32 $0x108;
	s8 =	sld [smem:$0x3FB2]  }
0x2e: {  	s3 =	simm.s32 @!p0 $0x1082;
	s9 =	sld [smem:$0x3FB3]  }
0x2f: {  	lr =	sadd.s32 s0, s3;
	s0 =	sld [smem:$0x3FAA]  }
0x30: {  	s3 =	sld [smem:$0x3FAD]  }
0x31: {  	[smem:$0x3FB6] =	sst s10  }
0x32: {  	s10 =	sld [smem:$0x3FB4];
	_ =	sdelay $0x3  }
0x33: {  	p0 =	seq.s32 s10, $0x1;
	s10 =	sld [smem:$0x3FB6];
	_ =	sdelay $0x3  }
0x34: {  	[smem:$0x3FB6] =	sst s10  }
0x35: {  	s10 =	sld [smem:$0x3FB5];
	_ =	sdelay $0x3  }
0x36: {  	p1 =	seq.s32 s10, $0x1;
	s10 =	sld [smem:$0x3FB6];
	_ =	sdelay $0x3  }
0x37: {  	[smem:$0x3FB6] =	sst s10  }
0x38: {  	s10 =	sld [smem:$0x3FB7]  }
0x39: {  	_ = 	snop;
	(pc) =	sbr.ind lr, $3  }
0x3a: {  	_ = 	snop  }
0x3b: {  	_ = 	snop  }
0x3c: {  	p2 =	seq.s32 s10, $0x1;
	s10 =	sld [smem:$0x3FB6]  }
0x3d: {  	_ =	shalt  }
0x3e: {  	_ =	shalt  }
0x3f: {  	_ =	shalt  }
0x40: {  	_ =	shalt  }
0x41: {  	_ =	shalt  }
0x42: {  	_ =	shalt  }
0x43: {  	_ =	shalt  }
0x44: {  	_ =	shalt  }
0x45: {  	_ =	shalt  }
0x46: {  	_ =	shalt  }
0x47: {  	_ =	shalt  }
0x48: {  	_ =	shalt  }
0x49: {  	_ =	shalt  }
0x4a: {  	_ =	shalt  }
0x4b: {  	_ =	shalt  }
0x4c: {  	_ =	shalt  }
0x4d: {  	_ =	shalt  }
0x4e: {  	_ =	shalt  }
0x4f: {  	_ =	shalt  }
0x50: {  	_ =	shalt  }
0x51: {  	_ =	shalt  }
0x52: {  	_ =	shalt  }
0x53: {  	_ =	shalt  }
0x54: {  	_ =	shalt  }
0x55: {  	_ =	shalt  }
0x56: {  	_ =	shalt  }
0x57: {  	_ =	shalt  }
0x58: {  	_ =	shalt  }
0x59: {  	_ =	shalt  }
0x5a: {  	_ =	shalt  }
0x5b: {  	_ =	shalt  }
0x5c: {  	_ =	shalt  }
0x5d: {  	_ =	shalt  }
0x5e: {  	_ =	shalt  }
0x5f: {  	_ =	shalt  }
0x60: {  	_ =	shalt  }
0x61: {  	_ =	shalt  }
0x62: {  	_ =	shalt  }
0x63: {  	_ =	shalt  }
0x64: {  	_ =	shalt  }
0x65: {  	_ =	shalt  }
0x66: {  	_ =	shalt  }
0x67: {  	_ =	shalt  }
0x68: {  	_ =	shalt  }
0x69: {  	_ =	shalt  }
0x6a: {  	_ =	shalt  }
0x6b: {  	_ =	shalt  }
0x6c: {  	_ =	shalt  }
0x6d: {  	_ =	shalt  }
0x6e: {  	_ =	shalt  }
0x6f: {  	_ =	shalt  }
0x70: {  	_ =	shalt  }
0x71: {  	_ =	shalt  }
0x72: {  	_ =	shalt  }
0x73: {  	_ =	shalt  }
0x74: {  	_ =	shalt  }
0x75: {  	_ =	shalt  }
0x76: {  	_ =	shalt  }
0x77: {  	_ =	shalt  }
0x78: {  	_ =	shalt  }
0x79: {  	_ =	shalt  }
0x7a: {  	_ =	shalt  }
0x7b: {  	_ =	shalt  }
0x7c: {  	_ =	shalt  }
0x7d: {  	_ =	shalt  }
0x7e: {  	_ =	shalt  }
0x7f: {  	_ =	shalt  }
0x80: {  	_ =	shalt  }
0x81: {  	_ =	shalt  }
0x82: {  	_ =	shalt  }
0x83: {  	_ =	shalt  }
0x84: {  	_ =	shalt  }
0x85: {  	_ =	shalt  }
0x86: {  	_ =	shalt  }
0x87: {  	_ =	shalt  }
.Lfunc_end0:
.L_simem_size_0:
called_computation.1_lowered:
.L_overlay_start_0:
0x88: {  	s2 =	sld [smem:$0x3FD9]  }
0x89: {  	s3 =	sld [smem:$0x3FFE];
	_ =	sdelay $0x1  }
0x8a: {  	s1 =	srdreg.scid  }
0x8b: {  	s0 =	sand.u32 $0x1, s1  }
0x8c: {  	s17 =	sshll.u32 s0, $0xA;
	s2 =	sadd.s32 s3, s2  }
0x8d: {  	s2 =	sadd.s32 s2, s17  }
0x8e: {  	[smem:$0x3FC2] =	sst s2  }
0x8f: {  	_ = 	snop  }
0x90: {  	s2 =	sld [smem:$0x3FD0];
	(tm) =	ssettm $0x1  }
0x91: {  	s18 =	sld [smem:$0x3FFB];
	_ =	sdelay $0x3  }
0x92: {  	_ =	strace s18  }
0x93: {  	s3 =	sld [smem:$0x3FFC];
	_ =	sdelay $0x3  }
0x94: {  	_ =	strace s3  }
0x95: {  	s3 =	sld [smem:$0x3FFD];
	_ =	sdelay $0x3  }
0x96: {  	_ =	strace s3  }
0x97: {  	_ =	strace $0x8FFFFFFF  }
0x98: {  	s19 =	sld [smem:$0x3FDB];
	_ =	sdelay $0x1  }
0x99: {  	s4 =	simm.s32 $_scs_section_size  }
0x9a: {  	s5 =	simm.s32 $_size__tile_overlayer_lowered;
	s6 =	simm.s32 $_tile_overlayer_lowered  }
0x9b: {  	s22 =	simm.s32 $0x1BFF;
	s21 =	sshll.u32 s6, $0x1;
	s3 =	sadd.s32 s4, s19  }
0x9c: {  	s7 =	simm.s32 $0x0;
	s20 =	sshll.u32 s5, $0x1;
	s5 =	sadd.s32 s21, s3  }
0x9d: {  	[timem:s7], [sflag:s22] =	dma.local [hbm:s5], s20  }
0x9e: {  	_ =	swait.ge [sflag:s22], s20  }
0x9f: {  	s4 =	ssub.s32 $0x0, s20;
	[sflag:s22] =	ssyncset.done $0x0  }
0xa0: {  	[sflag:s22] =	ssyncadd.s32 s4;
	_ =	sdelay $0x1  }
0xa1: {  	s23 =	simm.s32 $0x1B8B  }
0xa2: {  	_ =	swait.ge [sflag:s23], $0x1  }
0xa3: {  	[sflag:s23] =	ssyncset.done $0x0  }
0xa4: {  	s25 =	simm.s32 $0x1B8E;
	s24 =	sld [smem:$0x3FFE];
	[sflag:s23] =	ssyncadd.s32 $0xFFFFFFFF  }
0xa5: {  	s26 =	simm.s32 $execute0_lowered;
	[smem:$0x3FD2] =	sst s25  }
0xa6: {  	s5 =	sshll.u32 s26, $0x1;
	_ =	strace $0x80000046;
	[dreg:$0x1] =	wrdreg $0xFFFFFFFF  }
0xa7: {  	s28 =	simm.s32 $_size_execute0_lowered;
	s3 =	sadd.s32 s3, s5;
	[dreg:$0x0] =	wrdreg $0x0  }
0xa8: {  	s5 =	sshll.u32 s28, $0x1;
	[dreg:$0x2] =	wrdreg s3  }
0xa9: {  	[dreg:$0x3] =	wrdreg s5  }
0xaa: {  	[dreg:$0x4] =	wrdreg $0xC0  }
0xab: {  	_ =	task [dreg:s7], $0x5FFFF  }
0xac: {  	[dreg:$0x1] =	wrdreg $0xFFFFFFFF  }
0xad: {  	[dreg:$0x0] =	wrdreg $0x60  }
0xae: {  	[dreg:$0x2] =	wrdreg s24  }
0xaf: {  	[dreg:$0x3] =	wrdreg s2  }
0xb0: {  	[dreg:$0x4] =	wrdreg $0x9  }
0xb1: {  	_ =	task.clear_ibuf [dreg:s7], $0x5FFFF;
	_ =	strace $0x90000046  }
0xb2: {  	s29 =	simm.s32 $0x9;
	_ =	strace $0x80000048  }
0xb3: {  	_ =	swait.ge [sflag:s29], $0x1  }
0xb4: {  	[sflag:s29] =	ssyncadd.s32 $0xFFFFFFFF  }
0xb5: {  	_ =	strace $0x90000048  }
0xb6: {  	_ =	sfence  }
0xb7: {  	s30 =	sld [smem:$0x0];
	_ =	sdelay $0x2  }
0xb8: {  	s31 =	sshll.u32 s1, $0xD;
	s1 =	sshrl.u32 s1, $0x2  }
0xb9: {  	s3 =	sand.u32 $0x4000, s31;
	s1 =	sadd.s32 s1, s30  }
0xba: {  	s0 =	sor.u32 s3, s0;
	s1 =	sshll.u32 s1, $0x11  }
0xbb: {  	s0 =	sor.u32 s1, s0  }
0xbc: {  	s0 =	sadd.s32 $0x8F2B, s0  }
0xbd: {  	[sflag:s0] =	ssyncadd.remote.s32 $0x1  }
0xbe: {  	_ =	sfence.sel $0xFFFF  }
0xbf: {  	[dreg:$0x0] =	wrdreg $0xFFFFFFFF;
	(pc) =	sbr.abs _section_cstart, $3  }
0xc0: {  	[dreg:$0x1] =	wrdreg $0xFFFFFFFF  }
0xc1: {  	_ =	task.clear_ibuf [dreg:s7], $0x2FFFF;
	_ =	strace $0x9FFFFFFF  }
0xc2: {  	(tm) =	ssettm $0x7FFFFFFF  }
0xc3: {  	_ =	shalt  }
tec
execute0_lowered:
.L_overlay_start_1:
0x0: {  	(tag) =	ssettag $0x1  }
0x1: {  	s0 =	rddreg [dreg:$0x0];
	s1 =	srdreg.scid  }
0x2: {  	s16 =	stileid.u32;
	s13 =	rddreg [dreg:$0x1]  }
0x3: {  	s2 =	simm.s32 $0x0;
	s17 =	simm.s32 $0x80;
	s18 =	simm.s32 $0x1900  }
0x4: {  	s19 =	simm.s32 $0x3900;
	s20 =	simm.s32 $0x5900;
	s22 =	simm.s32 $0x7900  }
0x5: {  	s23 =	simm.s32 $0x1;
	s28 =	simm.s32 $0x4;
	s14 =	smul.u32 $0xC8000, s16  }
0x6: {  	s1 =	sand.u32 $0x1, s1;
	s3 =	sshll.u32 s16, $0x1;
	s16 =	smul.u32 $0x19000, s16  }
0x7: {  	s31 =	simm.s32 $0x0;
	[smem:$0x7FF] =	sst s2;
	s15 =	smul.u32 $0x64000, s1  }
0x8: {  	s7 =	sor.u32 s1, s3;
	s5 =	ssub.s32 $0x2, s1;
	s1 =	smul.u32 $0xC800, s1  }
0x9: {  	s12 =	sadd.s32 $0x8, s13;
	_ =	strace $0x80000047;
	s4 =	smul.u32 $0xC80, s7  }
0xa: {  	s3 =	sadd.s32 $0x7C00, s0;
	s6 =	smul.u32 $0x64000, s7;
	s8 =	sshrl.u32 s5, $0x1  }
0xb: {  	s11 =	smul.u32 $0xC800, s7;
	s30 =	sadd.s32 s16, s13;
	s16 =	simm.s32 $0xC80  }
0xc: {  	s8 =	ssub.s32 s5, s8;
	s14 =	sadd.s32 s15, s14;
	s15 =	simm.s32 $0x5  }
0xd: {  	s4 =	sshrl.u32 s4, $0x3;
	s9 =	sshrl.u32 s6, $0x3;
	s8 =	smax.u32 s8, $0x1  }
0xe: {  	s26 =	sadd.s32 $0xB800, s11;
	s29 =	sshrl.u32 s14, $0x3;
	s14 =	sadd.s32 s1, s30  }
0xf: {  	s0 =	sadd.s32 s4, s0;
	s24 =	sadd.s32 s13, s9;
	s25 =	sadd.s32 $0xB000, s9  }
0x10: {  	s11 =	sadd.s32 s13, s26;
	s4 =	sadd.s32 $0x1800, s0;
	s5 =	sadd.s32 $0x4A00, s0  }
0x11: {  	s6 =	sadd.s32 $0xC000, s24;
	s7 =	sadd.s32 $0xC008, s24;
	s9 =	sadd.s32 s13, s25  }
0x12: {  	s10 =	sadd.s32 s25, s12;
	s12 =	sadd.s32 s26, s12;
	s13 =	sadd.s32 s29, s13  }
0x13: {  	s24 =	simm.s32 $0x40;
	s25 =	simm.s32 $0x2;
	s26 =	simm.s32 $0x3  }
.LBB2_1:
0x14: {  	[tilespmem:s2], [sflag:$0x5] =	stream.linear.gather [hbm4b:s4+s2], $0xC80, $0x38;
	[tilespmem:$0x9900] =	vst v63  }
0x15: {  	_ =	swait.ge [sflag:s15], $0xC80  }
0x16: {  	[sflag:s15] =	ssyncset.done $0x0  }
0x17: {  	[sflag:s15] =	ssyncadd.s32 $0xFFFFF380  }
0x18: {  	[tilespmem:s16], [sflag:$0x5] =	stream.linear.gather [hbm4b:s5+s2], $0xC80, $0x38;
	[tilespmem:$0x9900] =	vst v63  }
0x19: {  	_ =	swait.ge [sflag:s15], $0xC80  }
0x1a: {  	[sflag:s15] =	ssyncset.done $0x0  }
0x1b: {  	[sflag:s15] =	ssyncadd.s32 $0xFFFFF380  }
0x1c: {  	[tilespmem:s18], [sflag:$0x1] =	stream.indirect.gather [hbm4b:s3+s17], $0x40, s2, s17, $0xb8;
	[tilespmem:$0x9900] =	vst v63  }
0x1d: {  	_ = 	snop  }
0x1e: {  	[tilespmem:s19], [sflag:$0x1] =	stream.indirect.gather [hbm4b:s3+s17], $0x40, s16, s17, $0xb8;
	[tilespmem:$0x9900] =	vst v63  }
0x1f: {  	_ = 	snop  }
0x20: {  	[tilespmem:s20], [sflag:$0x2] =	stream.indirect.gather [hbm4b:s3+s17], $0x40, s17, s17, $0xb8;
	[tilespmem:$0x9900] =	vst v63  }
0x21: {  	s0 =	simm.s32 $0xD00  }
0x22: {  	[tilespmem:s22], [sflag:$0x2] =	stream.indirect.gather [hbm4b:s3+s17], $0x40, s0, s17, $0xb8;
	[tilespmem:$0x9900] =	vst v63  }
0x23: {  	_ =	swait.ge [sflag:s23], $0x2000  }
0x24: {  	[sflag:s23] =	ssyncset.done $0x0  }
0x25: {  	[sflag:s23] =	ssyncadd.s32 $0xFFFFE000  }
0x26: {  	_ =	swait.ge [sflag:s23], $0x2000  }
0x27: {  	[sflag:s23] =	ssyncset.done $0x0  }
0x28: {  	s21 =	sadd.s32 $0x0, s13;
	[sflag:s23] =	ssyncadd.s32 $0xFFFFE000  }
0x29: {  	[hbm4b:s21+s24] =	stream.strided.scatter [tilespmem:s18], [sflag:$0x3], $0x2000, s17, s24, $0x38;
	[tilespmem:$0x9900] =	vst v63  }
0x2a: {  	s0 =	sadd.s32 $0x8, s21  }
0x2b: {  	[hbm4b:s0+s24] =	stream.strided.scatter [tilespmem:s19], [sflag:$0x3], $0x2000, s17, s24, $0x38;
	[tilespmem:$0x9900] =	vst v63  }
0x2c: {  	_ =	swait.ge [sflag:s25], $0x2000  }
0x2d: {  	[sflag:s25] =	ssyncset.done $0x0  }
0x2e: {  	[sflag:s25] =	ssyncadd.s32 $0xFFFFE000  }
0x2f: {  	_ =	swait.ge [sflag:s25], $0x2000  }
0x30: {  	s30 =	sadd.s32 $0x0, s14;
	[sflag:s25] =	ssyncset.done $0x0  }
0x31: {  	s1 =	sadd.s32 $0x800, s30;
	[sflag:s25] =	ssyncadd.s32 $0xFFFFE000  }
0x32: {  	[hbm4b:s1+s24] =	stream.strided.scatter [tilespmem:s20], [sflag:$0x4], $0x2000, s17, s24, $0x38;
	[tilespmem:$0x9900] =	vst v63  }
0x33: {  	s0 =	sadd.s32 $0x808, s30  }
0x34: {  	[hbm4b:s0+s24] =	stream.strided.scatter [tilespmem:s22], [sflag:$0x4], $0x2000, s17, s24, $0x38;
	[tilespmem:$0x9900] =	vst v63  }
0x35: {  	_ =	swait.ge [sflag:s26], $0x2000  }
0x36: {  	[sflag:s26] =	ssyncset.done $0x0  }
0x37: {  	[sflag:s26] =	ssyncadd.s32 $0xFFFFE000  }
0x38: {  	_ =	swait.ge [sflag:s26], $0x2000  }
0x39: {  	[sflag:s26] =	ssyncset.done $0x0  }
0x3a: {  	s1 =	simm.s32 $0x100;
	[sflag:s26] =	ssyncadd.s32 $0xFFFFE000  }
0x3b: {  	[tilespmem:s18], [sflag:$0x1] =	stream.indirect.gather [hbm4b:s3+s17], $0x40, s1, s17, $0xb8;
	[tilespmem:$0x9900] =	vst v63  }
0x3c: {  	s21 =	simm.s32 $0xD80  }
0x3d: {  	[tilespmem:s19], [sflag:$0x1] =	stream.indirect.gather [hbm4b:s3+s17], $0x40, s21, s17, $0xb8;
	[tilespmem:$0x9900] =	vst v63  }
0x3e: {  	_ =	swait.ge [sflag:s28], $0x2000  }
0x3f: {  	[sflag:s28] =	ssyncset.done $0x0  }
0x40: {  	[sflag:s28] =	ssyncadd.s32 $0xFFFFE000  }
0x41: {  	s29 =	simm.s32 $0xE00;
	_ =	swait.ge [sflag:s28], $0x2000  }
0x42: {  	s30 =	simm.s32 $0x180;
	s0 =	simm.s32 $0xE80;
	[sflag:s28] =	ssyncset.done $0x0  }
0x43: {  	s1 =	simm.s32 $0x1000;
	s21 =	simm.s32 $0x200;
	[sflag:s28] =	ssyncadd.s32 $0xFFFFE000  }
0x44: {  	[tilespmem:s20], [sflag:$0x2] =	stream.indirect.gather [hbm4b:s3+s17], $0x40, s30, s17, $0xb8;
	[tilespmem:$0x9900] =	vst v63  }
.LBB2_2:
0x45: {  	[tilespmem:s22], [sflag:$0x2] =	stream.indirect.gather [hbm4b:s3+s17], $0x40, s29, s17, $0xb8;
	[tilespmem:$0x9900] =	vst v63  }
0x46: {  	s29 =	smov.u32 s1  }
0x47: {  	p0 =	sne.s32 s1, $0xA000;
	s1 =	sadd.s32 $0x1000, s1;
	_ =	swait.ge [sflag:s23], $0x2000  }
0x48: {  	[sflag:s23] =	ssyncset.done $0x0  }
0x49: {  	[sflag:s23] =	ssyncadd.s32 $0xFFFFE000  }
0x4a: {  	_ =	swait.ge [sflag:s23], $0x2000  }
0x4b: {  	[sflag:s23] =	ssyncset.done $0x0  }
0x4c: {  	s30 =	sadd.s32 s29, s13;
	[sflag:s23] =	ssyncadd.s32 $0xFFFFE000  }
0x4d: {  	[hbm4b:s30+s24] =	stream.strided.scatter [tilespmem:s18], [sflag:$0x3], $0x2000, s17, s24, $0x38;
	[tilespmem:$0x9900] =	vst v63  }
0x4e: {  	s30 =	sadd.s32 $0x8, s30  }
0x4f: {  	[hbm4b:s30+s24] =	stream.strided.scatter [tilespmem:s19], [sflag:$0x3], $0x2000, s17, s24, $0x38;
	[tilespmem:$0x9900] =	vst v63  }
0x50: {  	_ =	swait.ge [sflag:s25], $0x2000  }
0x51: {  	[sflag:s25] =	ssyncset.done $0x0  }
0x52: {  	[sflag:s25] =	ssyncadd.s32 $0xFFFFE000  }
0x53: {  	_ =	swait.ge [sflag:s25], $0x2000  }
0x54: {  	s29 =	sadd.s32 s29, s14;
	[sflag:s25] =	ssyncset.done $0x0  }
0x55: {  	s30 =	sadd.s32 $0x800, s29;
	[sflag:s25] =	ssyncadd.s32 $0xFFFFE000  }
0x56: {  	[hbm4b:s30+s24] =	stream.strided.scatter [tilespmem:s20], [sflag:$0x4], $0x2000, s17, s24, $0x38;
	[tilespmem:$0x9900] =	vst v63  }
0x57: {  	s29 =	sadd.s32 $0x808, s29  }
0x58: {  	[hbm4b:s29+s24] =	stream.strided.scatter [tilespmem:s22], [sflag:$0x4], $0x2000, s17, s24, $0x38;
	[tilespmem:$0x9900] =	vst v63  }
0x59: {  	_ =	swait.ge [sflag:s26], $0x2000  }
0x5a: {  	[sflag:s26] =	ssyncset.done $0x0  }
0x5b: {  	[sflag:s26] =	ssyncadd.s32 $0xFFFFE000  }
0x5c: {  	_ =	swait.ge [sflag:s26], $0x2000  }
0x5d: {  	[sflag:s26] =	ssyncset.done $0x0  }
0x5e: {  	[sflag:s26] =	ssyncadd.s32 $0xFFFFE000  }
0x5f: {  	[tilespmem:s18], [sflag:$0x1] =	stream.indirect.gather [hbm4b:s3+s17], $0x40, s21, s17, $0xb8;
	[tilespmem:$0x9900] =	vst v63  }
0x60: {  	_ = 	snop  }
0x61: {  	[tilespmem:s19], [sflag:$0x1] =	stream.indirect.gather [hbm4b:s3+s17], $0x40, s0, s17, $0xb8;
	[tilespmem:$0x9900] =	vst v63  }
0x62: {  	_ =	swait.ge [sflag:s28], $0x2000  }
0x63: {  	[sflag:s28] =	ssyncset.done $0x0  }
0x64: {  	[sflag:s28] =	ssyncadd.s32 $0xFFFFE000  }
.Ltmp0:
0x65: {  	_ =	swait.ge [sflag:s28], $0x2000;
	(pc) =	sbr.rel @p0 .LBB2_2-.Ltmp0, $4  }
0x66: {  	[sflag:s28] =	ssyncset.done $0x0  }
0x67: {  	s29 =	sadd.s32 $0x80, s21;
	[sflag:s28] =	ssyncadd.s32 $0xFFFFE000  }
0x68: {  	[tilespmem:s20], [sflag:$0x2] =	stream.indirect.gather [hbm4b:s3+s17], $0x40, s29, s17, $0xb8;
	[tilespmem:$0x9900] =	vst v63  }
0x69: {  	s21 =	sadd.s32 $0x100, s21;
	s29 =	sadd.s32 $0x80, s0;
	s0 =	sadd.s32 $0x100, s0  }
0x6a: {  	[tilespmem:s22], [sflag:$0x2] =	stream.indirect.gather [hbm4b:s3+s17], $0x40, s29, s17, $0xb8;
	[tilespmem:$0x9900] =	vst v63  }
0x6b: {  	_ =	swait.ge [sflag:s23], $0x2000  }
0x6c: {  	[sflag:s23] =	ssyncset.done $0x0  }
0x6d: {  	[sflag:s23] =	ssyncadd.s32 $0xFFFFE000  }
0x6e: {  	_ =	swait.ge [sflag:s23], $0x2000  }
0x6f: {  	[sflag:s23] =	ssyncset.done $0x0  }
0x70: {  	[sflag:s23] =	ssyncadd.s32 $0xFFFFE000  }
0x71: {  	[hbm4b:s9+s24] =	stream.strided.scatter [tilespmem:s18], [sflag:$0x3], $0x2000, s17, s24, $0x38;
	[tilespmem:$0x9900] =	vst v63  }
0x72: {  	_ = 	snop  }
0x73: {  	[hbm4b:s10+s24] =	stream.strided.scatter [tilespmem:s19], [sflag:$0x3], $0x2000, s17, s24, $0x38;
	[tilespmem:$0x9900] =	vst v63  }
0x74: {  	_ =	swait.ge [sflag:s25], $0x2000  }
0x75: {  	[sflag:s25] =	ssyncset.done $0x0  }
0x76: {  	[sflag:s25] =	ssyncadd.s32 $0xFFFFE000  }
0x77: {  	_ =	swait.ge [sflag:s25], $0x2000  }
0x78: {  	[sflag:s25] =	ssyncset.done $0x0  }
0x79: {  	[sflag:s25] =	ssyncadd.s32 $0xFFFFE000  }
0x7a: {  	[hbm4b:s11+s24] =	stream.strided.scatter [tilespmem:s20], [sflag:$0x4], $0x2000, s17, s24, $0x38;
	[tilespmem:$0x9900] =	vst v63  }
0x7b: {  	_ = 	snop  }
0x7c: {  	[hbm4b:s12+s24] =	stream.strided.scatter [tilespmem:s22], [sflag:$0x4], $0x2000, s17, s24, $0x38;
	[tilespmem:$0x9900] =	vst v63  }
0x7d: {  	_ =	swait.ge [sflag:s26], $0x2000  }
0x7e: {  	[sflag:s26] =	ssyncset.done $0x0  }
0x7f: {  	[sflag:s26] =	ssyncadd.s32 $0xFFFFE000  }
0x80: {  	_ =	swait.ge [sflag:s26], $0x2000  }
0x81: {  	[sflag:s26] =	ssyncset.done $0x0  }
0x82: {  	[sflag:s26] =	ssyncadd.s32 $0xFFFFE000  }
0x83: {  	_ =	swait.ge [sflag:s28], $0x2000  }
0x84: {  	[sflag:s28] =	ssyncset.done $0x0  }
0x85: {  	[sflag:s28] =	ssyncadd.s32 $0xFFFFE000  }
0x86: {  	_ =	swait.ge [sflag:s28], $0x2000  }
0x87: {  	[sflag:s28] =	ssyncset.done $0x0  }
0x88: {  	s0 =	simm.s32 $0xC00;
	[sflag:s28] =	ssyncadd.s32 $0xFFFFE000  }
0x89: {  	[tilespmem:s18], [sflag:$0x1] =	stream.indirect.gather [hbm4b:s3+s17], $0x40, s0, s17, $0xb8;
	[tilespmem:$0x9900] =	vst v63  }
0x8a: {  	s30 =	simm.s32 $0x1880  }
0x8b: {  	[tilespmem:s19], [sflag:$0x1] =	stream.indirect.gather [hbm4b:s3+s17], $0x40, s30, s17, $0xb8;
	[tilespmem:$0x9900] =	vst v63  }
0x8c: {  	_ =	swait.ge [sflag:s23], $0x2000  }
0x8d: {  	[sflag:s23] =	ssyncset.done $0x0  }
0x8e: {  	[sflag:s23] =	ssyncadd.s32 $0xFFFFE000  }
0x8f: {  	_ =	swait.ge [sflag:s23], $0x2000  }
0x90: {  	[sflag:s23] =	ssyncset.done $0x0  }
0x91: {  	[sflag:s23] =	ssyncadd.s32 $0xFFFFE000  }
0x92: {  	[hbm4b:s6+s24] =	stream.strided.scatter [tilespmem:s18], [sflag:$0x3], $0x2000, s17, s24, $0x38;
	[tilespmem:$0x9900] =	vst v63  }
0x93: {  	s31 =	sadd.s32 $0x1, s31  }
0x94: {  	[hbm4b:s7+s24] =	stream.strided.scatter [tilespmem:s19], [sflag:$0x3], $0x2000, s17, s24, $0x38;
	[tilespmem:$0x9900] =	vst v63  }
0x95: {  	p0 =	sne.s32 s31, s8;
	_ =	swait.ge [sflag:s26], $0x2000  }
.Ltmp1:
0x96: {  	[sflag:s26] =	ssyncset.done $0x0;
	(pc) =	sbr.rel @p0 .LBB2_1-.Ltmp1, $4  }
0x97: {  	[sflag:s26] =	ssyncadd.s32 $0xFFFFE000  }
0x98: {  	_ =	swait.ge [sflag:s26], $0x2000  }
0x99: {  	[sflag:s26] =	ssyncset.done $0x0  }
0x9a: {  	[sflag:s26] =	ssyncadd.s32 $0xFFFFE000  }
0x9b: {  	_ =	sfence.sel $0x180000  }
0x9c: {  	[bflag:$0x0] =	sbarrier.arrive $0xFFFF  }
0x9d: {  	_ =	strace $0x90000047  }
0x9e: {  	s0 =	stileid.u32;
	[bflag:$0x2] =	sbarrier.arrive $0xFFFF  }
0x9f: {  	p0 =	sne.s32 s0, $0x0;
	s0 =	rddreg [dreg:$0x2]  }
0xa0: {  	s0 =	sadd.s32 @!p0 $0x100000, s0  }
0xa1: {  	[sflag:s0] =	ssyncadd.tile.s32 @!p0 $0x1;
	_ =	shalt  }
.Lfunc_end2:
_tile_overlayer_lowered:
.L_overlay_start_2:
0xa2: {  	(tag) =	ssettag $0x2  }
0xa3: {  	s0 =	rddreg [dreg:$0x0];
	s2 =	stileid.u32  }
0xa4: {  	s1 =	rddreg [dreg:$0x1];
	p0 =	sne.s32 s2, $0x0  }
0xa5: {  	s3 =	rddreg [dreg:$0x2];
	[bflag:$0x3] =	sbarrier.arrive $0xFFFF;
	s2 =	simm.s32 @!p0 $0x1C05  }
0xa6: {  	[timem:s3], [sflag:s2] =	dma.local @!p0 [hbm:s0], s1  }
0xa7: {  	s0 =	simm.s32 @!p0 $0x5  }
0xa8: {  	_ =	swait.ge @!p0 [sflag:s0], s1  }
0xa9: {  	s1 =	ssub.s32 @!p0 $0x0, s1;
	[sflag:s0] =	ssyncset.done @!p0 $0x0  }
0xaa: {  	[sflag:s0] =	ssyncadd.s32 @!p0 s1  }
0xab: {  	[bflag:$0x3] =	sbarrier.arrive $0xFFFF  }
0xac: {  	_ =	shalt  }

// kernel: sparse-core-data-format-call.cloned.1.call-start
scs
called_computation_lowered:
.L_overlay_start_0:
0x0: {  	s2 =	sld [smem:$0x3FD9]  }
0x1: {  	s3 =	sld [smem:$0x3FFE];
	_ =	sdelay $0x1  }
0x2: {  	s1 =	srdreg.scid  }
0x3: {  	s0 =	sand.u32 $0x1, s1  }
0x4: {  	s18 =	sshll.u32 s0, $0xA;
	s2 =	sadd.s32 s3, s2  }
0x5: {  	s2 =	sadd.s32 s2, s18  }
0x6: {  	[smem:$0x3FC2] =	sst s2  }
0x7: {  	_ = 	snop  }
0x8: {  	s2 =	sld [smem:$0x3FD0];
	(tm) =	ssettm $0x1  }
0x9: {  	s19 =	sld [smem:$0x3FFB];
	_ =	sdelay $0x3  }
0xa: {  	_ =	strace s19  }
0xb: {  	s3 =	sld [smem:$0x3FFC];
	_ =	sdelay $0x3  }
0xc: {  	_ =	strace s3  }
0xd: {  	s3 =	sld [smem:$0x3FFD];
	_ =	sdelay $0x3  }
0xe: {  	_ =	strace s3  }
0xf: {  	_ =	strace $0x8FFFFFFF  }
0x10: {  	s20 =	sld [smem:$0x3FDB];
	_ =	sdelay $0x1  }
0x11: {  	s4 =	simm.s32 $_scs_section_size  }
0x12: {  	s5 =	simm.s32 $_size__tile_overlayer_lowered;
	s6 =	simm.s32 $_tile_overlayer_lowered  }
0x13: {  	s23 =	simm.s32 $0x1BFF;
	s22 =	sshll.u32 s6, $0x1;
	s3 =	sadd.s32 s4, s20  }
0x14: {  	s7 =	simm.s32 $0x0;
	s21 =	sshll.u32 s5, $0x1;
	s5 =	sadd.s32 s22, s3  }
0x15: {  	[timem:s7], [sflag:s23] =	dma.local [hbm:s5], s21  }
0x16: {  	_ =	swait.ge [sflag:s23], s21  }
0x17: {  	s4 =	ssub.s32 $0x0, s21;
	[sflag:s23] =	ssyncset.done $0x0  }
0x18: {  	[sflag:s23] =	ssyncadd.s32 s4;
	_ =	sdelay $0x1  }
0x19: {  	s24 =	simm.s32 $0x1B8B  }
0x1a: {  	_ =	swait.ge [sflag:s24], $0x1  }
0x1b: {  	[sflag:s24] =	ssyncset.done $0x0  }
0x1c: {  	s26 =	simm.s32 $0x1B8E;
	s25 =	sld [smem:$0x3FFE];
	[sflag:s24] =	ssyncadd.s32 $0xFFFFFFFF  }
0x1d: {  	s27 =	simm.s32 $execute0_lowered;
	[smem:$0x3FD2] =	sst s26  }
0x1e: {  	s5 =	sshll.u32 s27, $0x1;
	_ =	strace $0x80000049;
	[dreg:$0x1] =	wrdreg $0xFFFFFFFF  }
0x1f: {  	s28 =	simm.s32 $_size_execute0_lowered;
	s3 =	sadd.s32 s3, s5;
	[dreg:$0x0] =	wrdreg $0x0  }
0x20: {  	s5 =	sshll.u32 s28, $0x1;
	[dreg:$0x2] =	wrdreg s3  }
0x21: {  	[dreg:$0x3] =	wrdreg s5  }
0x22: {  	[dreg:$0x4] =	wrdreg $0xC0  }
0x23: {  	_ =	task [dreg:s7], $0x5FFFF  }
0x24: {  	[dreg:$0x1] =	wrdreg $0xFFFFFFFF  }
0x25: {  	[dreg:$0x0] =	wrdreg $0x60  }
0x26: {  	[dreg:$0x2] =	wrdreg s25  }
0x27: {  	[dreg:$0x3] =	wrdreg s2  }
0x28: {  	[dreg:$0x4] =	wrdreg $0x9  }
0x29: {  	_ =	task.clear_ibuf [dreg:s7], $0x5FFFF;
	_ =	strace $0x90000049  }
0x2a: {  	s29 =	simm.s32 $0x9;
	_ =	strace $0x8000004B  }
0x2b: {  	_ =	swait.ge [sflag:s29], $0x1  }
0x2c: {  	[sflag:s29] =	ssyncadd.s32 $0xFFFFFFFF  }
0x2d: {  	_ =	strace $0x9000004B  }
0x2e: {  	_ =	sfence  }
0x2f: {  	s30 =	sld [smem:$0x0];
	_ =	sdelay $0x2  }
0x30: {  	s31 =	sshll.u32 s1, $0xD;
	s1 =	sshrl.u32 s1, $0x2  }
0x31: {  	s3 =	sand.u32 $0x4000, s31;
	s1 =	sadd.s32 s1, s30  }
0x32: {  	s0 =	sor.u32 s3, s0;
	s1 =	sshll.u32 s1, $0x11  }
0x33: {  	s0 =	sor.u32 s1, s0  }
0x34: {  	s0 =	sadd.s32 $0x8F2B, s0  }
0x35: {  	[sflag:s0] =	ssyncadd.remote.s32 $0x1  }
0x36: {  	_ =	sfence.sel $0xFFFF  }
0x37: {  	[dreg:$0x0] =	wrdreg $0xFFFFFFFF;
	(pc) =	sbr.abs _section_cstart, $3  }
0x38: {  	[dreg:$0x1] =	wrdreg $0xFFFFFFFF  }
0x39: {  	_ =	task.clear_ibuf [dreg:s7], $0x2FFFF;
	_ =	strace $0x9FFFFFFF  }
0x3a: {  	(tm) =	ssettm $0x7FFFFFFF  }
0x3b: {  	_ =	shalt  }
tec
execute0_lowered:
.L_overlay_start_1:
0x0: {  	(tag) =	ssettag $0x1  }
0x1: {  	s0 =	stileid.u32;
	s6 =	rddreg [dreg:$0x0]  }
0x2: {  	s2 =	rddreg [dreg:$0x1];
	s5 =	srdreg.scid  }
0x3: {  	s31 =	simm.s32 $0x2;
	s13 =	simm.s32 $0x0;
	s1 =	sshll.u32 s0, $0x7  }
0x4: {  	s14 =	simm.s32 $0x0;
	s12 =	simm.s32 $0x0;
	s3 =	sand.u32 $0x380, s1  }
0x5: {  	s5 =	sshll.u32 s5, $0x4;
	s6 =	sadd.s32 $0x1800, s6;
	s4 =	ssub.s32 $0x400, s3  }
0x6: {  	s1 =	rddreg [dreg:$0x2];
	_ =	strace $0x8000004A;
	s7 =	sand.u32 $0x380, s4  }
0x7: {  	s5 =	sand.u32 $0x10, s5;
	p0 =	sne.s32 s7, $0x0;
	s7 =	simm.s32 $0x1  }
.Ltmp0:
0x8: {  	s8 =	sshrl.u32 s4, $0xA;
	s7 =	simm.s32 @!p0 $0x0;
	(pc) =	sbr.rel .LBB1_1-.Ltmp0, $4  }
0x9: {  	s9 =	sor.u32 s0, s5;
	s4 =	simm.s32 $0x1;
	s30 =	sadd.s32 s7, s8  }
0xa: {  	s11 =	smov.u32 s3;
	[sflag:s4] =	ssyncpa.u1 $0x0;
	s5 =	smul.u32 $0x32, s30  }
0xb: {  	[sflag:s31] =	ssyncpa.u1 $0x0;
	p0 =	por $0x0, $0x0;
	s7 =	sshrl.u32 s9, $0x3  }
0xc: {  	s9 =	simm.s32 $0x2000;
	s10 =	smov.u32 s7;
	s8 =	sor.u32 $0x1, s5  }
.LBB1_4:
0xd: {  	s17 =	sand.u32 $0x1F80, s14;
	s13 =	sshll.u32 s13, $0xD  }
0xe: {  	[tilespmem:s16+$0x810 ss:$0x81] =	vst.msk $0xffff, v2;
	s18 =	sshrl.u32 s14, $0x3;
	s31 =	sand.u32 $0x7, s14;
	s17 =	sadd.s32 s2, s17  }
0xf: {  	[tilespmem:s16+$0x1020 ss:$0x81] =	vst.msk $0xffff, v0;
	s18 =	sand.u32 $0xF, s18;
	s14 =	sshll.u32 s31, $0x12;
	s13 =	sadd.s32 s13, s17  }
0x10: {  	[tilespmem:s16+$0x0 ss:$0x81] =	vst.msk $0xffff, v1;
	s14 =	sor.u32 $0x400, s14;
	s13 =	sadd.s32 s18, s13  }
0x11: {  	[hbm4b:s13+s14] =	stream.strided.scatter [tilespmem:s15], [sflag:$0x2], $0x2000, s9, s14, $0x20;
	[tilespmem:$0x8080] =	vst v63  }
.LBB1_5:
0x12: {  	s15 =	sadd.s32 $0x4, s10  }
0x13: {  	s13 =	sadd.s32 $0x400, s11;
	s17 =	smov.u32 s11;
	p2 =	sgt.s32 s15, $0xC7  }
0x14: {  	s17 =	smov.u32 @p2 s13  }
0x15: {  	s15 =	smov.u32 @p2 s7;
	p2 =	sgt.s32 s17, $0x3FF  }
0x16: {  	s17 =	smov.u32 @p2 s3;
	p2 =	sne.s32 s12, s8  }
.Ltmp1:
0x17: {  	p1 =	slt.u32 s12, $0x2;
	(pc) =	sbr.rel @!p2 .LBB1_6-.Ltmp1, $4  }
0x18: {  	s16 =	simm.s32 @!p1 $0x2  }
0x19: {  	s14 =	smov.u32 s11;
	p0 =	por !p0, !p0;
	_ =	swait.ge @!p1 [sflag:s16], $0x2000  }
0x1a: {  	s13 =	smov.u32 s10;
	[sflag:s16] =	ssyncset.done @!p1 $0x0;
	s10 =	smov.u32 s15  }
0x1b: {  	s12 =	sadd.s32 $0x1, s12;
	[sflag:s16] =	ssyncadd.s32 @!p1 $0xFFFFE000;
	s11 =	smov.u32 s17  }
.LBB1_1:
0x1c: {  	p1 =	sge.u32 s12, s5  }
0x1d: {  	s15 =	sand.u32 @!p1 $0x1FFFFFF, s10  }
0x1e: {  	s16 =	smulhi.u32 @!p1 $0x147AE15, s15;
	_ =	sdelay $0x1  }
0x1f: {  	s16 =	smul.u32 @!p1 $0xC8, s16  }
0x20: {  	s17 =	sxor.u32 @!p1 $0xFFFFFFFF, s12;
	s18 =	smul.u32 @!p1 $0xC80, s11  }
0x21: {  	s31 =	sadd.s32 $0xFFFFFFFF, s12;
	s17 =	sshll.u32 @!p1 s17, $0xD;
	s15 =	ssub.s32 @!p1 s15, s16  }
0x22: {  	s16 =	sand.u32 @!p1 $0x2000, s17;
	s17 =	sadd.s32 @!p1 s6, s18;
	s15 =	sshll.u32 @!p1 s15, $0x4  }
0x23: {  	s18 =	simm.s32 @!p1 $0x6400;
	s15 =	sadd.s32 @!p1 s15, s17;
	s17 =	simm.s32 @!p1 $0x40  }
0x24: {  	[tilespmem:s16], [sflag:$0x1] =	stream.strided.gather @!p1 [hbm4b:s15+s17], $0x2000, s18, s17, $0x38;
	[tilespmem:$0x8080] =	vst v63  }
0x25: {  	p1 =	sge.u32 s31, s5  }
.Ltmp2:
0x26: {  	_ = 	snop;
	(pc) =	sbr.rel @p1 .LBB1_5-.Ltmp2, $1  }
0x27: {  	_ =	sdelay $0x3  }
0x28: {  	s15 =	simm.s32 $0x1  }
0x29: {  	_ =	swait.ge [sflag:s4], $0x2000;
	s15 =	simm.s32 @!p0 $0x0  }
0x2a: {  	[sflag:s4] =	ssyncset.done $0x0;
	s16 =	sshll.u32 s15, $0xD  }
0x2b: {  	[sflag:s4] =	ssyncadd.s32 $0xFFFFE000;
	s19 =	sor.u32 $0x20, s16  }
0x2c: {  	s15 =	smul.u32 $0x8100, s15;
	v3 =	vld [tilespmem:s19+$0x10]  }
0x2d: {  	s30 =	sand.u32 $0x1, s12;
	v2 =	vld [tilespmem:s19+$0xFFFFFFF0]  }
0x2e: {  	s16 =	smul.u32 $0x8100, s30;
	s15 =	sshrl.u32 s15, $0x2;
	v0 =	vld [tilespmem:s19+$0x0]  }
0x2f: {  	v1 =	vld [tilespmem:s19+$0xFFFFFFE0];
	s17 =	sor.u32 $0x4000, s15  }
0x30: {  	s31 =	sshrl.u32 s16, $0x2;
	s16 =	sadd.s32 $0x0, s17  }
0x31: {  	s18 =	simm.s32 $0x4;
	s19 =	sadd.s32 $0x40, s19;
	s15 =	sor.u32 $0x4000, s31;
	[tilespmem:s16+$0x1830 ss:$0x81] =	vst.msk $0xffff, v3  }
.LBB1_3:
0x32: {  	v3 =	vld [tilespmem:s19+$0x10];
	p1 =	sne.s32 s18, $0x1FC;
	[tilespmem:s16+$0x810 ss:$0x81] =	vst.msk $0xffff, v2;
	s20 =	smov.u32 s18;
	s18 =	sadd.s32 $0x4, s18  }
.Ltmp3:
0x33: {  	v2 =	vld [tilespmem:s19+$0xFFFFFFF0];
	[tilespmem:s16+$0x1020 ss:$0x81] =	vst.msk $0xffff, v0;
	(pc) =	sbr.rel @p1 .LBB1_3-.Ltmp3, $4  }
0x34: {  	v0 =	vld [tilespmem:s19+$0x0];
	[tilespmem:s16+$0x0 ss:$0x81] =	vst.msk $0xffff, v1  }
0x35: {  	s16 =	sshra.s32 s20, $0x2;
	v1 =	vld [tilespmem:s19+$0xFFFFFFE0]  }
0x36: {  	s16 =	sadd.s32 s16, s17  }
0x37: {  	s19 =	sadd.s32 $0x40, s19;
	[tilespmem:s16+$0x1830 ss:$0x81] =	vst.msk $0xffff, v3  }
.Ltmp4:
0x38: {  	_ = 	snop;
	(pc) =	sbr.rel .LBB1_4-.Ltmp4, $1  }
0x39: {  	_ =	sdelay $0x3  }
.LBB1_6:
0x3a: {  	_ =	sfence.sel $0x180000  }
0x3b: {  	s2 =	simm.s32 $0x1;
	[bflag:$0x0] =	sbarrier.arrive $0xFFFF  }
0x3c: {  	s31 =	simm.s32 $0x2;
	[sflag:s2] =	ssyncpa.u1 $0x1  }
0x3d: {  	[sflag:s31] =	ssyncpa.u1 $0x1  }
0x3e: {  	p0 =	sne.s32 s0, $0x0;
	_ =	strace $0x9000004A  }
0x3f: {  	s0 =	sadd.s32 @!p0 $0x100000, s1;
	[bflag:$0x2] =	sbarrier.arrive $0xFFFF  }
0x40: {  	[sflag:s0] =	ssyncadd.tile.s32 @!p0 $0x1;
	_ =	shalt  }
.Lfunc_end1:
_tile_overlayer_lowered:
.L_overlay_start_2:
0x41: {  	(tag) =	ssettag $0x2  }
0x42: {  	s0 =	rddreg [dreg:$0x0];
	s2 =	stileid.u32  }
0x43: {  	s1 =	rddreg [dreg:$0x1];
	p0 =	sne.s32 s2, $0x0  }
0x44: {  	s3 =	rddreg [dreg:$0x2];
	[bflag:$0x3] =	sbarrier.arrive $0xFFFF;
	s2 =	simm.s32 @!p0 $0x1C01  }
0x45: {  	[timem:s3], [sflag:s2] =	dma.local @!p0 [hbm:s0], s1  }
0x46: {  	s0 =	simm.s32 @!p0 $0x1  }
0x47: {  	_ =	swait.ge @!p0 [sflag:s0], s1  }
0x48: {  	s1 =	ssub.s32 @!p0 $0x0, s1;
	[sflag:s0] =	ssyncset.done @!p0 $0x0  }
0x49: {  	[sflag:s0] =	ssyncadd.s32 @!p0 s1  }
0x4a: {  	[bflag:$0x3] =	sbarrier.arrive $0xFFFF  }
0x4b: {  	_ =	shalt  }

</sc_bundles>
